<compile_context>
chip_gen: v7x
topology: tpu7x:2x2x1
jax: 0.10.2.dev20260603
libtpu: 0.0.44.dev20260713+nightly
codegen_flags: <defaults>
</compile_context>

<pallas_src>
import functools

import jax
import jax.numpy as jnp
from jax import lax
from jax.experimental import pallas as pl
from jax.experimental.pallas import tpu as pltpu
from jax.experimental.pallas import tpu_sc as plsc

N = 100000
E = 6400000
NP = 100480
DUMP = 100224
DELTA_X = 0.1
DELTA_Y = 0.1
F_CONST = 1.0

NC = 2
NS = 16
CHUNK = 2048
NCHUNKS = E // CHUNK
ACCW = 12 * NP
ZW = 76800
ZWL = ACCW - 15 * ZW
ZB = 1920
TS = 6400
TSL = NP - 15 * TS

_mesh = plsc.VectorSubcoreMesh(core_axis_name="c", subcore_axis_name="s")


def _sc_body(ei, eax_h, eay_h, xop, xap, out,
             srcb, dstb, eaxb, eayb, xab, xosb, xodb, sidx, sval, zbuf,
             acc, xo_sh, xa_sh, sem):
    cid = lax.axis_index("c")
    sid = lax.axis_index("s")
    wid = cid * NS + sid

    iota = lax.broadcasted_iota(jnp.int32, (16,), 0)
    zeros16 = jnp.zeros((16,), jnp.float32)
    ones16 = jnp.ones((16,), jnp.float32)

    toff = sid * TS

    @pl.when(sid < 15)
    def _():
        pltpu.sync_copy(xop.at[pl.ds(toff, TS)], xo_sh.at[pl.ds(toff, TS)])
        pltpu.sync_copy(xap.at[pl.ds(toff, TS)], xa_sh.at[pl.ds(toff, TS)])

    @pl.when(sid == 15)
    def _():
        pltpu.sync_copy(xop.at[pl.ds(15 * TS, TSL)], xo_sh.at[pl.ds(15 * TS, TSL)])
        pltpu.sync_copy(xap.at[pl.ds(15 * TS, TSL)], xa_sh.at[pl.ds(15 * TS, TSL)])

    def zb_body(i, _):
        zbuf[pl.ds(i * 16, 16)] = zeros16
        return 0
    lax.fori_loop(0, ZB // 16, zb_body, 0)

    def zc_body(i, _):
        pltpu.sync_copy(zbuf, acc.at[pl.ds(sid * ZW + i * ZB, ZB)])
        return 0
    ncp = jnp.where(sid < 15, ZW // ZB, ZWL // ZB)
    lax.fori_loop(0, ncp, zc_body, 0)

    def pf_body(i, _):
        sval[pl.ds(2 * CHUNK + i * 16, 16)] = ones16
        return 0
    lax.fori_loop(0, CHUNK // 16, pf_body, 0)

    plsc.subcore_barrier()

    nch = jnp.where(wid < NCHUNKS % 32, NCHUNKS // 32 + 1, NCHUNKS // 32)
    base = wid * (NCHUNKS // 32) + jnp.minimum(wid, NCHUNKS % 32)

    def fire(ch, off):
        pltpu.async_copy(ei.at[0, pl.ds(ch * CHUNK, CHUNK)],
                         srcb.at[pl.ds(off, CHUNK)], sem)
        pltpu.async_copy(ei.at[1, pl.ds(ch * CHUNK, CHUNK)],
                         dstb.at[pl.ds(off, CHUNK)], sem)
        pltpu.async_copy(eax_h.at[pl.ds(ch * CHUNK, CHUNK)],
                         eaxb.at[pl.ds(off, CHUNK)], sem)
        pltpu.async_copy(eay_h.at[pl.ds(ch * CHUNK, CHUNK)],
                         eayb.at[pl.ds(off, CHUNK)], sem)

    fire(base, 0)

    def chunk_body(i, _):
        off = lax.rem(i, 2) * CHUNK
        pltpu.make_async_copy(ei.at[0, pl.ds(0, CHUNK)],
                              srcb.at[pl.ds(off, CHUNK)], sem).wait()
        pltpu.make_async_copy(ei.at[1, pl.ds(0, CHUNK)],
                              dstb.at[pl.ds(off, CHUNK)], sem).wait()
        pltpu.make_async_copy(eax_h.at[pl.ds(0, CHUNK)],
                              eaxb.at[pl.ds(off, CHUNK)], sem).wait()
        pltpu.make_async_copy(eay_h.at[pl.ds(0, CHUNK)],
                              eayb.at[pl.ds(off, CHUNK)], sem).wait()

        @pl.when(i + 1 < nch)
        def _():
            fire(base + i + 1, CHUNK - off)

        srcc = srcb.at[pl.ds(off, CHUNK)]
        dstc = dstb.at[pl.ds(off, CHUNK)]
        pltpu.sync_copy(xa_sh.at[srcc], xab)
        pltpu.sync_copy(xo_sh.at[srcc], xosb)
        pltpu.sync_copy(xo_sh.at[dstc], xodb)

        def dir_pass(eab, b_sa, b_su, b_c):
            def step(t, _):
                l = t * 16
                dst16 = dstb[pl.ds(off + l, 16)]
                xa16 = xab[pl.ds(l, 16)]
                du = xodb[pl.ds(l, 16)] - xosb[pl.ds(l, 16)]
                ea16 = eab[pl.ds(off + l, 16)]
                neg = ea16 < 0.0
                m = ea16 != 0.0
                b0 = dst16 + jnp.where(neg, NP, 0)
                bs = jnp.where(m, b0, DUMP)
                sidx[pl.ds(l, 16)] = bs + b_sa
                sidx[pl.ds(CHUNK + l, 16)] = bs + b_su
                sidx[pl.ds(2 * CHUNK + l, 16)] = bs + b_c
                sval[pl.ds(l, 16)] = xa16
                sval[pl.ds(CHUNK + l, 16)] = du / ea16
                return 0

            lax.fori_loop(0, CHUNK // 16, step, 0)
            pltpu.sync_copy(sval, acc.at[sidx], add=True)

        dir_pass(eaxb, 0, 2 * NP, 4 * NP)
        dir_pass(eayb, 6 * NP, 8 * NP, 10 * NP)
        return 0

    lax.fori_loop(0, nch, chunk_body, 0)

    plsc.subcore_barrier()

    obase = cid * ACCW + sid * ZW

    @pl.when(sid < 15)
    def _():
        pltpu.sync_copy(acc.at[pl.ds(sid * ZW, ZW)], out.at[pl.ds(obase, ZW)])

    @pl.when(sid == 15)
    def _():
        pltpu.sync_copy(acc.at[pl.ds(15 * ZW, ZWL)],
                        out.at[pl.ds(cid * ACCW + 15 * ZW, ZWL)])


@functools.partial(
    pl.kernel,
    out_type=jax.ShapeDtypeStruct((NC * ACCW,), jnp.float32),
    mesh=_mesh,
    scratch_types=[
        pltpu.VMEM((2 * CHUNK,), jnp.int32),
        pltpu.VMEM((2 * CHUNK,), jnp.int32),
        pltpu.VMEM((2 * CHUNK,), jnp.float32),
        pltpu.VMEM((2 * CHUNK,), jnp.float32),
        pltpu.VMEM((CHUNK,), jnp.float32),
        pltpu.VMEM((CHUNK,), jnp.float32),
        pltpu.VMEM((CHUNK,), jnp.float32),
        pltpu.VMEM((3 * CHUNK,), jnp.int32),
        pltpu.VMEM((3 * CHUNK,), jnp.float32),
        pltpu.VMEM((ZB,), jnp.float32),
        pltpu.VMEM_SHARED((ACCW,), jnp.float32),
        pltpu.VMEM_SHARED((NP,), jnp.float32),
        pltpu.VMEM_SHARED((NP,), jnp.float32),
        pltpu.SemaphoreType.DMA,
    ],
)
def _sc_scatter(ei, eax_h, eay_h, xop, xap, out, *scratch):
    _sc_body(ei, eax_h, eay_h, xop, xap, out, *scratch)


_KC = 20096


def _combine_body(a_ref, o_ref):
    a = a_ref[...]
    s = a[0:12] + a[12:24]
    mcxp = jnp.maximum(s[4:5], 1.0)
    mcxm = jnp.maximum(s[5:6], 1.0)
    mcyp = jnp.maximum(s[10:11], 1.0)
    mcym = jnp.maximum(s[11:12], 1.0)
    axp = s[0:1] / mcxp
    axm = s[1:2] / mcxm
    uxp = s[2:3] / mcxp
    uxm = s[3:4] / mcxm
    ayp = s[6:7] / mcyp
    aym = s[7:8] / mcym
    uyp = s[8:9] / mcyp
    uym = s[9:10] / mcym
    loss = (axp * uxp - axm * uxm) / DELTA_X \
         + (ayp * uyp - aym * uym) / DELTA_Y + F_CONST
    o_ref[...] = loss


_combine = pl.pallas_call(
    _combine_body,
    grid=(NP // _KC,),
    in_specs=[pl.BlockSpec((24, _KC), lambda i: (0, i))],
    out_specs=pl.BlockSpec((1, _KC), lambda i: (0, i)),
    out_shape=jax.ShapeDtypeStruct((1, NP), jnp.float32),
)


@jax.jit
def kernel(x_out, x_a, edge_attr, edge_index):
    xop = jnp.pad(x_out[:, 0], (0, NP - N))
    xap = jnp.pad(x_a[:, 0], (0, NP - N))
    eax_h = edge_attr[:, 0]
    eay_h = edge_attr[:, 1]
    acc = _sc_scatter(edge_index, eax_h, eay_h, xop, xap)
    loss = _combine(acc.reshape(24, NP))
    return loss.reshape(NP, 1)[:N]

# --- scband reference (transcript-rebuilt; emitter-appended) ---
"""Pipeline reference for scband-darcy-loss-35407710388666 (READ-ONLY COPY).

The authoritative reference and input builder live on the scoring server;
editing this copy changes nothing except your own understanding.
"""

import jax, jax.numpy as jnp
import numpy as np

N = 100000
E = 6400000
DELTA_X = 0.1
DELTA_Y = 0.1
IDX_X = 0
IDX_Y = 1
F_CONST = 1.0


def setup_inputs(seed: int = 0) -> dict:
    key = jax.random.key(seed)
    k1, k2, k3, k4 = jax.random.split(key, 4)
    x_out = jax.random.normal(k1, (N, 1), dtype=jnp.float32)
    x_a = jax.random.normal(k2, (N, 1), dtype=jnp.float32)
    edge_attr = jax.random.normal(k3, (E, 2), dtype=jnp.float32)
    edge_index = jax.random.randint(k4, (2, E), 0, N, dtype=jnp.int32)
    return {"x_out": x_out, "x_a": x_a, "edge_attr": edge_attr, "edge_index": edge_index}


def _masked_scatter_mean(vals, idx, w, n):
    # vals: [E', d], w: [E'] 0/1 weights (mask), idx: [E'] dst node ids
    s = jax.ops.segment_sum(vals * w[:, None], idx, num_segments=n)
    c = jax.ops.segment_sum(w, idx, num_segments=n)
    return s / jnp.maximum(c, 1.0)[:, None]


def reference(x_out, x_a, edge_attr, edge_index):
    n = x_out.shape[0]
    src = edge_index[0]
    dst = edge_index[1]

    # masks on edge displacement sign (plus/minus half-cell neighbors)
    w_xp = (edge_attr[:, IDX_X] > 0).astype(jnp.float32)
    w_xm = (edge_attr[:, IDX_X] < 0).astype(jnp.float32)
    w_yp = (edge_attr[:, IDX_Y] > 0).astype(jnp.float32)
    w_ym = (edge_attr[:, IDX_Y] < 0).astype(jnp.float32)

    # MetaLayer(EdgeSpatialAverage, NodeSpatialAverage):
    # edge_attr' = x_a[src]; node avg = scatter_mean(edge_attr', dst)
    def filter_edge_average(w):
        vals = x_a[src]  # gather: [E, 1]
        return _masked_scatter_mean(vals, dst, w, n)

    # SpatialDerivativeOperator: per-edge finite difference of node field 0,
    # divided by the corresponding edge displacement, scatter-mean to dst.
    def local_derivative(w, col):
        du = x_out[dst] - x_out[src]  # [E, 1]
        denom = jnp.where(w > 0, edge_attr[:, col], 1.0)[:, None]
        d = du / denom
        return _masked_scatter_mean(d, dst, w, n)

    a_x_plus = filter_edge_average(w_xp)
    a_x_minus = filter_edge_average(w_xm)
    a_y_plus = filter_edge_average(w_yp)
    a_y_minus = filter_edge_average(w_ym)

    u_x_plus = local_derivative(w_xp, IDX_X)
    u_x_minus = local_derivative(w_xm, IDX_X)
    u_y_plus = local_derivative(w_yp, IDX_Y)
    u_y_minus = local_derivative(w_ym, IDX_Y)

    loss = (a_x_plus * u_x_plus - a_x_minus * u_x_minus) / DELTA_X \
         + (a_y_plus * u_y_plus - a_y_minus * u_y_minus) / DELTA_Y \
         + F_CONST
    return loss

if __name__ == "__main__":
    import jax
    _d = setup_inputs()
    print(jax.jit(kernel)(*tuple(_d.values())))

</pallas_src>

<mosaic_0001>
#map = affine_map<(d0, d1) -> (0, 0)>
#map1 = affine_map<(d0, d1) -> (0)>
module attributes {stable_mosaic.version = 14 : i64} {
  func.func @_sc_scatter(%arg0: i32, %arg1: i32, %arg2: memref<2x6400000xi32, #tpu.memory_space<hbm>>, %arg3: memref<6400000xf32, #tpu.memory_space<hbm>>, %arg4: memref<6400000xf32, #tpu.memory_space<hbm>>, %arg5: memref<100480xf32, #tpu.memory_space<hbm>>, %arg6: memref<100480xf32, #tpu.memory_space<hbm>>, %arg7: memref<2411520xf32, #tpu.memory_space<hbm>>, %arg8: memref<4096xi32, #tpu.memory_space<vmem>>, %arg9: memref<4096xi32, #tpu.memory_space<vmem>>, %arg10: memref<4096xf32, #tpu.memory_space<vmem>>, %arg11: memref<4096xf32, #tpu.memory_space<vmem>>, %arg12: memref<2048xf32, #tpu.memory_space<vmem>>, %arg13: memref<2048xf32, #tpu.memory_space<vmem>>, %arg14: memref<2048xf32, #tpu.memory_space<vmem>>, %arg15: memref<6144xi32, #tpu.memory_space<vmem>>, %arg16: memref<6144xf32, #tpu.memory_space<vmem>>, %arg17: memref<1920xf32, #tpu.memory_space<vmem>>, %arg18: memref<1205760xf32, #tpu.memory_space<vmem_shared>>, %arg19: memref<100480xf32, #tpu.memory_space<vmem_shared>>, %arg20: memref<100480xf32, #tpu.memory_space<vmem_shared>>, %arg21: memref<!tpu.dma_semaphore, #tpu.memory_space<semaphore_mem>>) attributes {dimension_semantics = [#tpu.dimension_semantics<core_parallel>, #tpu.dimension_semantics<subcore_parallel>], iteration_bounds = array<i64: 2, 16>, scalar_prefetch = 0 : i64, scratch_operands = 14 : i64, tpu.core_type = #tpu.core_type<sc_vector_subcore>, window_params = [{transform_indices = #map}, {transform_indices = #map1}, {transform_indices = #map1}, {transform_indices = #map1}, {transform_indices = #map1}, {transform_indices = #map1}]} {
    %mul3A = arith.constant 16 : i32
    %mul3A_0 = arith.muli %arg0, %mul3A : i32
    %add3A = arith.addi %mul3A_0, %arg1 : i32
    %iota3A = tpu.iota {dimensions = array<i32: 0>} : vector<16xi32>
    %broadcast_in_dim3A = arith.constant 0.000000e+00 : f32
    %broadcast_in_dim3A_1 = vector.broadcast %broadcast_in_dim3A : f32 to vector<16xf32>
    %broadcast_in_dim3A_2 = arith.constant 1.000000e+00 : f32
    %broadcast_in_dim3A_3 = vector.broadcast %broadcast_in_dim3A_2 : f32 to vector<16xf32>
    %mul3A_4 = arith.constant 6400 : i32
    %mul3A_5 = arith.muli %arg1, %mul3A_4 : i32
    %lt3A = arith.constant 15 : i32
    %lt3A_6 = arith.cmpi slt, %arg1, %lt3A : i32
    %convert_element_type3A = arith.extui %lt3A_6 : i1 to i32
    %cond3A = arith.constant 0 : i32
    %cond3A_7 = arith.cmpi ne, %convert_element_type3A, %cond3A : i32
    scf.if %cond3A_7 {
      "tpu.region"() ({
        %run_scoped3A = tpu.sem_alloc : memref<!tpu.dma_semaphore, #tpu.memory_space<semaphore_mem>>
        %dma_start3A_113 = tpu.memref_slice %arg19[%mul3A_5] : memref<100480xf32, #tpu.memory_space<vmem_shared>> -> memref<6400xf32, #tpu.memory_space<vmem_shared>>
        %dma_start3A_114 = tpu.memref_slice %arg5[%mul3A_5] : memref<100480xf32, #tpu.memory_space<hbm>> -> memref<6400xf32, #tpu.memory_space<hbm>>
        tpu.enqueue_dma source(%dma_start3A_114 : memref<6400xf32, #tpu.memory_space<hbm>>) target(%dma_start3A_113 : memref<6400xf32, #tpu.memory_space<vmem_shared>>) target_semaphore(%run_scoped3A : memref<!tpu.dma_semaphore, #tpu.memory_space<semaphore_mem>>)
        %dma_wait3A = tpu.memref_slice %arg19[%mul3A_5] : memref<100480xf32, #tpu.memory_space<vmem_shared>> -> memref<6400xf32, #tpu.memory_space<vmem_shared>>
        %dma_wait3A_115 = tpu.memref_slice %arg5[%mul3A_5] : memref<100480xf32, #tpu.memory_space<hbm>> -> memref<6400xf32, #tpu.memory_space<hbm>>
        tpu.wait_dma2 semaphore(%run_scoped3A : memref<!tpu.dma_semaphore, #tpu.memory_space<semaphore_mem>>) src(%dma_wait3A_115 : memref<6400xf32, #tpu.memory_space<hbm>>) dst(%dma_wait3A : memref<6400xf32, #tpu.memory_space<vmem_shared>>)
        tpu.yield
      }) : () -> ()
      "tpu.region"() ({
        %run_scoped3A = tpu.sem_alloc : memref<!tpu.dma_semaphore, #tpu.memory_space<semaphore_mem>>
        %dma_start3A_113 = tpu.memref_slice %arg20[%mul3A_5] : memref<100480xf32, #tpu.memory_space<vmem_shared>> -> memref<6400xf32, #tpu.memory_space<vmem_shared>>
        %dma_start3A_114 = tpu.memref_slice %arg6[%mul3A_5] : memref<100480xf32, #tpu.memory_space<hbm>> -> memref<6400xf32, #tpu.memory_space<hbm>>
        tpu.enqueue_dma source(%dma_start3A_114 : memref<6400xf32, #tpu.memory_space<hbm>>) target(%dma_start3A_113 : memref<6400xf32, #tpu.memory_space<vmem_shared>>) target_semaphore(%run_scoped3A : memref<!tpu.dma_semaphore, #tpu.memory_space<semaphore_mem>>)
        %dma_wait3A = tpu.memref_slice %arg20[%mul3A_5] : memref<100480xf32, #tpu.memory_space<vmem_shared>> -> memref<6400xf32, #tpu.memory_space<vmem_shared>>
        %dma_wait3A_115 = tpu.memref_slice %arg6[%mul3A_5] : memref<100480xf32, #tpu.memory_space<hbm>> -> memref<6400xf32, #tpu.memory_space<hbm>>
        tpu.wait_dma2 semaphore(%run_scoped3A : memref<!tpu.dma_semaphore, #tpu.memory_space<semaphore_mem>>) src(%dma_wait3A_115 : memref<6400xf32, #tpu.memory_space<hbm>>) dst(%dma_wait3A : memref<6400xf32, #tpu.memory_space<vmem_shared>>)
        tpu.yield
      }) : () -> ()
    } else {
    }
    %eq3A = arith.constant 15 : i32
    %eq3A_8 = arith.cmpi eq, %arg1, %eq3A : i32
    %convert_element_type3A_9 = arith.extui %eq3A_8 : i1 to i32
    %cond3A_10 = arith.constant 0 : i32
    %cond3A_11 = arith.cmpi ne, %convert_element_type3A_9, %cond3A_10 : i32
    scf.if %cond3A_11 {
      "tpu.region"() ({
        %run_scoped3A = tpu.sem_alloc : memref<!tpu.dma_semaphore, #tpu.memory_space<semaphore_mem>>
        %dma_start3A_113 = arith.constant 96000 : i32
        %dma_start3A_114 = tpu.memref_slice %arg19[%dma_start3A_113] : memref<100480xf32, #tpu.memory_space<vmem_shared>> -> memref<4480xf32, #tpu.memory_space<vmem_shared>>
        %dma_start3A_115 = arith.constant 96000 : i32
        %dma_start3A_116 = tpu.memref_slice %arg5[%dma_start3A_115] : memref<100480xf32, #tpu.memory_space<hbm>> -> memref<4480xf32, #tpu.memory_space<hbm>>
        tpu.enqueue_dma source(%dma_start3A_116 : memref<4480xf32, #tpu.memory_space<hbm>>) target(%dma_start3A_114 : memref<4480xf32, #tpu.memory_space<vmem_shared>>) target_semaphore(%run_scoped3A : memref<!tpu.dma_semaphore, #tpu.memory_space<semaphore_mem>>)
        %dma_wait3A = arith.constant 96000 : i32
        %dma_wait3A_117 = tpu.memref_slice %arg19[%dma_wait3A] : memref<100480xf32, #tpu.memory_space<vmem_shared>> -> memref<4480xf32, #tpu.memory_space<vmem_shared>>
        %dma_wait3A_118 = arith.constant 96000 : i32
        %dma_wait3A_119 = tpu.memref_slice %arg5[%dma_wait3A_118] : memref<100480xf32, #tpu.memory_space<hbm>> -> memref<4480xf32, #tpu.memory_space<hbm>>
        tpu.wait_dma2 semaphore(%run_scoped3A : memref<!tpu.dma_semaphore, #tpu.memory_space<semaphore_mem>>) src(%dma_wait3A_119 : memref<4480xf32, #tpu.memory_space<hbm>>) dst(%dma_wait3A_117 : memref<4480xf32, #tpu.memory_space<vmem_shared>>)
        tpu.yield
      }) : () -> ()
      "tpu.region"() ({
        %run_scoped3A = tpu.sem_alloc : memref<!tpu.dma_semaphore, #tpu.memory_space<semaphore_mem>>
        %dma_start3A_113 = arith.constant 96000 : i32
        %dma_start3A_114 = tpu.memref_slice %arg20[%dma_start3A_113] : memref<100480xf32, #tpu.memory_space<vmem_shared>> -> memref<4480xf32, #tpu.memory_space<vmem_shared>>
        %dma_start3A_115 = arith.constant 96000 : i32
        %dma_start3A_116 = tpu.memref_slice %arg6[%dma_start3A_115] : memref<100480xf32, #tpu.memory_space<hbm>> -> memref<4480xf32, #tpu.memory_space<hbm>>
        tpu.enqueue_dma source(%dma_start3A_116 : memref<4480xf32, #tpu.memory_space<hbm>>) target(%dma_start3A_114 : memref<4480xf32, #tpu.memory_space<vmem_shared>>) target_semaphore(%run_scoped3A : memref<!tpu.dma_semaphore, #tpu.memory_space<semaphore_mem>>)
        %dma_wait3A = arith.constant 96000 : i32
        %dma_wait3A_117 = tpu.memref_slice %arg20[%dma_wait3A] : memref<100480xf32, #tpu.memory_space<vmem_shared>> -> memref<4480xf32, #tpu.memory_space<vmem_shared>>
        %dma_wait3A_118 = arith.constant 96000 : i32
        %dma_wait3A_119 = tpu.memref_slice %arg6[%dma_wait3A_118] : memref<100480xf32, #tpu.memory_space<hbm>> -> memref<4480xf32, #tpu.memory_space<hbm>>
        tpu.wait_dma2 semaphore(%run_scoped3A : memref<!tpu.dma_semaphore, #tpu.memory_space<semaphore_mem>>) src(%dma_wait3A_119 : memref<4480xf32, #tpu.memory_space<hbm>>) dst(%dma_wait3A_117 : memref<4480xf32, #tpu.memory_space<vmem_shared>>)
        tpu.yield
      }) : () -> ()
    } else {
    }
    %scan3A = arith.constant 0 : i32
    %scan3A_12 = arith.constant 0 : i32
    %scan3A_13 = arith.constant 120 : i32
    %scan3A_14 = arith.addi %scan3A_12, %scan3A_13 : i32
    %scan3A_15 = arith.constant 1 : i32
    %scan3A_16 = scf.for %scan3A_113 = %scan3A_12 to %scan3A_14 step %scan3A_15 iter_args(%scan3A_114 = %scan3A) -> (i32)  : i32 {
      %mul3A_115 = arith.constant 16 : i32
      %mul3A_116 = arith.muli %scan3A_113, %mul3A_115 : i32
      %swap3A = arith.index_cast %mul3A_116 : i32 to index
      %swap3A_117 = tpu.vector_load %arg17[%swap3A] {strides = array<i32>} : memref<1920xf32, #tpu.memory_space<vmem>>, vector<16xf32>,
      %swap3A_118 = vector.shape_cast %swap3A_117 : vector<16xf32> to vector<16xf32>
      %swap3A_119 = vector.shape_cast %broadcast_in_dim3A_1 : vector<16xf32> to vector<16xf32>
      tpu.vector_store %arg17[%swap3A], %swap3A_119 {strides = array<i32>} : memref<1920xf32, #tpu.memory_space<vmem>>, vector<16xf32>,
      %scan3A_120 = arith.constant 0 : i32
      scf.yield %scan3A_120 : i32
    }
    %scan3A_17 = arith.constant 120 : i32
    %lt3A_18 = arith.constant 15 : i32
    %lt3A_19 = arith.cmpi slt, %arg1, %lt3A_18 : i32
    %jit3A = arith.constant 40 : i32
    %jit3A_20 = arith.constant 28 : i32
    %select_n3A = arith.select %lt3A_19, %jit3A, %jit3A_20 : i32
    %while3A = arith.constant 0 : i32
    %while3A_21 = arith.constant 0 : i32
    %while3A_22 = arith.subi %select_n3A, %while3A : i32
    %while3A_23 = arith.addi %while3A, %while3A_22 : i32
    %while3A_24 = arith.constant 1 : i32
    %while3A_25 = arith.divsi %while3A_22, %while3A_24 : i32
    %while3A_26 = arith.muli %while3A_25, %while3A_24 : i32
    %while3A_27 = arith.addi %while3A, %while3A_26 : i32
    %while3A_28 = arith.constant 1 : i32
    %while3A_29 = scf.for %while3A_113 = %while3A to %while3A_27 step %while3A_28 iter_args(%while3A_114 = %while3A_21) -> (i32)  : i32 {
      %mul3A_115 = arith.constant 76800 : i32
      %mul3A_116 = arith.muli %arg1, %mul3A_115 : i32
      %mul3A_117 = arith.constant 1920 : i32
      %mul3A_118 = arith.muli %while3A_113, %mul3A_117 : i32
      %add3A_119 = arith.addi %mul3A_116, %mul3A_118 : i32
      "tpu.region"() ({
        %run_scoped3A = tpu.sem_alloc : memref<!tpu.dma_semaphore, #tpu.memory_space<semaphore_mem>>
        %dma_start3A_121 = tpu.memref_slice %arg18[%add3A_119] : memref<1205760xf32, #tpu.memory_space<vmem_shared>> -> memref<1920xf32, #tpu.memory_space<vmem_shared>>
        %dma_start3A_122 = tpu.memref_slice %arg18[%add3A_119] : memref<1205760xf32, #tpu.memory_space<vmem_shared>> -> memref<1920xf32, #tpu.memory_space<vmem_shared>>
        tpu.enqueue_dma source(%arg17 : memref<1920xf32, #tpu.memory_space<vmem>>) target(%dma_start3A_122 : memref<1920xf32, #tpu.memory_space<vmem_shared>>) target_semaphore(%run_scoped3A : memref<!tpu.dma_semaphore, #tpu.memory_space<semaphore_mem>>)
        %dma_wait3A = tpu.memref_slice %arg18[%add3A_119] : memref<1205760xf32, #tpu.memory_space<vmem_shared>> -> memref<1920xf32, #tpu.memory_space<vmem_shared>>
        %dma_wait3A_123 = tpu.memref_slice %arg18[%add3A_119] : memref<1205760xf32, #tpu.memory_space<vmem_shared>> -> memref<1920xf32, #tpu.memory_space<vmem_shared>>
        tpu.wait_dma2 semaphore(%run_scoped3A : memref<!tpu.dma_semaphore, #tpu.memory_space<semaphore_mem>>) src(%arg17 : memref<1920xf32, #tpu.memory_space<vmem>>) dst(%dma_wait3A_123 : memref<1920xf32, #tpu.memory_space<vmem_shared>>)
        tpu.yield
      }) : () -> ()
      %while3A_120 = arith.constant 0 : i32
      scf.yield %while3A_120 : i32
    }
    %while3A_30 = arith.constant 1 : i32
    %while3A_31 = scf.for %while3A_113 = %while3A_27 to %while3A_23 step %while3A_30 iter_args(%while3A_114 = %while3A_29) -> (i32)  : i32 {
      %mul3A_115 = arith.constant 76800 : i32
      %mul3A_116 = arith.muli %arg1, %mul3A_115 : i32
      %mul3A_117 = arith.constant 1920 : i32
      %mul3A_118 = arith.muli %while3A_113, %mul3A_117 : i32
      %add3A_119 = arith.addi %mul3A_116, %mul3A_118 : i32
      "tpu.region"() ({
        %run_scoped3A = tpu.sem_alloc : memref<!tpu.dma_semaphore, #tpu.memory_space<semaphore_mem>>
        %dma_start3A_121 = tpu.memref_slice %arg18[%add3A_119] : memref<1205760xf32, #tpu.memory_space<vmem_shared>> -> memref<1920xf32, #tpu.memory_space<vmem_shared>>
        %dma_start3A_122 = tpu.memref_slice %arg18[%add3A_119] : memref<1205760xf32, #tpu.memory_space<vmem_shared>> -> memref<1920xf32, #tpu.memory_space<vmem_shared>>
        tpu.enqueue_dma source(%arg17 : memref<1920xf32, #tpu.memory_space<vmem>>) target(%dma_start3A_122 : memref<1920xf32, #tpu.memory_space<vmem_shared>>) target_semaphore(%run_scoped3A : memref<!tpu.dma_semaphore, #tpu.memory_space<semaphore_mem>>)
        %dma_wait3A = tpu.memref_slice %arg18[%add3A_119] : memref<1205760xf32, #tpu.memory_space<vmem_shared>> -> memref<1920xf32, #tpu.memory_space<vmem_shared>>
        %dma_wait3A_123 = tpu.memref_slice %arg18[%add3A_119] : memref<1205760xf32, #tpu.memory_space<vmem_shared>> -> memref<1920xf32, #tpu.memory_space<vmem_shared>>
        tpu.wait_dma2 semaphore(%run_scoped3A : memref<!tpu.dma_semaphore, #tpu.memory_space<semaphore_mem>>) src(%arg17 : memref<1920xf32, #tpu.memory_space<vmem>>) dst(%dma_wait3A_123 : memref<1920xf32, #tpu.memory_space<vmem_shared>>)
        tpu.yield
      }) : () -> ()
      %while3A_120 = arith.constant 0 : i32
      scf.yield %while3A_120 : i32
    }
    %scan3A_32 = arith.constant 0 : i32
    %scan3A_33 = arith.constant 0 : i32
    %scan3A_34 = arith.constant 128 : i32
    %scan3A_35 = arith.addi %scan3A_33, %scan3A_34 : i32
    %scan3A_36 = arith.constant 1 : i32
    %scan3A_37 = scf.for %scan3A_113 = %scan3A_33 to %scan3A_35 step %scan3A_36 iter_args(%scan3A_114 = %scan3A_32) -> (i32)  : i32 {
      %mul3A_115 = arith.constant 16 : i32
      %mul3A_116 = arith.muli %scan3A_113, %mul3A_115 : i32
      %add3A_117 = arith.constant 4096 : i32
      %add3A_118 = arith.addi %add3A_117, %mul3A_116 : i32
      %swap3A = arith.index_cast %add3A_118 : i32 to index
      %swap3A_119 = tpu.vector_load %arg16[%swap3A] {strides = array<i32>} : memref<6144xf32, #tpu.memory_space<vmem>>, vector<16xf32>,
      %swap3A_120 = vector.shape_cast %swap3A_119 : vector<16xf32> to vector<16xf32>
      %swap3A_121 = vector.shape_cast %broadcast_in_dim3A_3 : vector<16xf32> to vector<16xf32>
      tpu.vector_store %arg16[%swap3A], %swap3A_121 {strides = array<i32>} : memref<6144xf32, #tpu.memory_space<vmem>>, vector<16xf32>,
      %scan3A_122 = arith.constant 0 : i32
      scf.yield %scan3A_122 : i32
    }
    %scan3A_38 = arith.constant 128 : i32
    %barrier3A = arith.constant 0 : index
    tpu.barrier barrier_id(%barrier3A)
    %lt3A_39 = arith.constant 21 : i32
    %lt3A_40 = arith.cmpi slt, %add3A, %lt3A_39 : i32
    %jit3A_41 = arith.constant 98 : i32
    %jit3A_42 = arith.constant 97 : i32
    %select_n3A_43 = arith.select %lt3A_40, %jit3A_41, %jit3A_42 : i32
    %mul3A_44 = arith.constant 97 : i32
    %mul3A_45 = arith.muli %add3A, %mul3A_44 : i32
    %min3A = arith.constant 21 : i32
    %min3A_46 = arith.minsi %add3A, %min3A : i32
    %add3A_47 = arith.addi %mul3A_45, %min3A_46 : i32
    %mul3A_48 = arith.constant 2048 : i32
    %mul3A_49 = arith.muli %add3A_47, %mul3A_48 : i32
    %dma_start3A = arith.constant 0 : i32
    %dma_start3A_50 = arith.constant 0 : i32
    %dma_start3A_51 = tpu.memref_slice %arg8[%dma_start3A_50] : memref<4096xi32, #tpu.memory_space<vmem>> -> memref<2048xi32, #tpu.memory_space<vmem>>
    %dma_start3A_52 = tpu.memref_slice %arg2[%dma_start3A, %mul3A_49] : memref<2x6400000xi32, #tpu.memory_space<hbm>> -> memref<1x2048xi32, #tpu.memory_space<hbm>>
    %dma_start3A_53 = tpu.memref_squeeze %dma_start3A_52 : memref<1x2048xi32, #tpu.memory_space<hbm>> -> memref<2048xi32, #tpu.memory_space<hbm>>
    %dma_start3A_54 = arith.constant 0 : i32
    %dma_start3A_55 = tpu.memref_slice %arg8[%dma_start3A_54] : memref<4096xi32, #tpu.memory_space<vmem>> -> memref<2048xi32, #tpu.memory_space<vmem>>
    %dma_start3A_56 = tpu.memref_slice %arg2[%dma_start3A, %mul3A_49] : memref<2x6400000xi32, #tpu.memory_space<hbm>> -> memref<1x2048xi32, #tpu.memory_space<hbm>>
    %dma_start3A_57 = tpu.memref_squeeze %dma_start3A_56 : memref<1x2048xi32, #tpu.memory_space<hbm>> -> memref<2048xi32, #tpu.memory_space<hbm>>
    tpu.enqueue_dma source(%dma_start3A_57 : memref<2048xi32, #tpu.memory_space<hbm>>) target(%dma_start3A_55 : memref<2048xi32, #tpu.memory_space<vmem>>) target_semaphore(%arg21 : memref<!tpu.dma_semaphore, #tpu.memory_space<semaphore_mem>>)
    %mul3A_58 = arith.constant 2048 : i32
    %mul3A_59 = arith.muli %add3A_47, %mul3A_58 : i32
    %dma_start3A_60 = arith.constant 1 : i32
    %dma_start3A_61 = arith.constant 0 : i32
    %dma_start3A_62 = tpu.memref_slice %arg9[%dma_start3A_61] : memref<4096xi32, #tpu.memory_space<vmem>> -> memref<2048xi32, #tpu.memory_space<vmem>>
    %dma_start3A_63 = tpu.memref_slice %arg2[%dma_start3A_60, %mul3A_59] : memref<2x6400000xi32, #tpu.memory_space<hbm>> -> memref<1x2048xi32, #tpu.memory_space<hbm>>
    %dma_start3A_64 = tpu.memref_squeeze %dma_start3A_63 : memref<1x2048xi32, #tpu.memory_space<hbm>> -> memref<2048xi32, #tpu.memory_space<hbm>>
    %dma_start3A_65 = arith.constant 0 : i32
    %dma_start3A_66 = tpu.memref_slice %arg9[%dma_start3A_65] : memref<4096xi32, #tpu.memory_space<vmem>> -> memref<2048xi32, #tpu.memory_space<vmem>>
    %dma_start3A_67 = tpu.memref_slice %arg2[%dma_start3A_60, %mul3A_59] : memref<2x6400000xi32, #tpu.memory_space<hbm>> -> memref<1x2048xi32, #tpu.memory_space<hbm>>
    %dma_start3A_68 = tpu.memref_squeeze %dma_start3A_67 : memref<1x2048xi32, #tpu.memory_space<hbm>> -> memref<2048xi32, #tpu.memory_space<hbm>>
    tpu.enqueue_dma source(%dma_start3A_68 : memref<2048xi32, #tpu.memory_space<hbm>>) target(%dma_start3A_66 : memref<2048xi32, #tpu.memory_space<vmem>>) target_semaphore(%arg21 : memref<!tpu.dma_semaphore, #tpu.memory_space<semaphore_mem>>)
    %mul3A_69 = arith.constant 2048 : i32
    %mul3A_70 = arith.muli %add3A_47, %mul3A_69 : i32
    %dma_start3A_71 = arith.constant 0 : i32
    %dma_start3A_72 = tpu.memref_slice %arg10[%dma_start3A_71] : memref<4096xf32, #tpu.memory_space<vmem>> -> memref<2048xf32, #tpu.memory_space<vmem>>
    %dma_start3A_73 = tpu.memref_slice %arg3[%mul3A_70] : memref<6400000xf32, #tpu.memory_space<hbm>> -> memref<2048xf32, #tpu.memory_space<hbm>>
    %dma_start3A_74 = arith.constant 0 : i32
    %dma_start3A_75 = tpu.memref_slice %arg10[%dma_start3A_74] : memref<4096xf32, #tpu.memory_space<vmem>> -> memref<2048xf32, #tpu.memory_space<vmem>>
    %dma_start3A_76 = tpu.memref_slice %arg3[%mul3A_70] : memref<6400000xf32, #tpu.memory_space<hbm>> -> memref<2048xf32, #tpu.memory_space<hbm>>
    tpu.enqueue_dma source(%dma_start3A_76 : memref<2048xf32, #tpu.memory_space<hbm>>) target(%dma_start3A_75 : memref<2048xf32, #tpu.memory_space<vmem>>) target_semaphore(%arg21 : memref<!tpu.dma_semaphore, #tpu.memory_space<semaphore_mem>>)
    %mul3A_77 = arith.constant 2048 : i32
    %mul3A_78 = arith.muli %add3A_47, %mul3A_77 : i32
    %dma_start3A_79 = arith.constant 0 : i32
    %dma_start3A_80 = tpu.memref_slice %arg11[%dma_start3A_79] : memref<4096xf32, #tpu.memory_space<vmem>> -> memref<2048xf32, #tpu.memory_space<vmem>>
    %dma_start3A_81 = tpu.memref_slice %arg4[%mul3A_78] : memref<6400000xf32, #tpu.memory_space<hbm>> -> memref<2048xf32, #tpu.memory_space<hbm>>
    %dma_start3A_82 = arith.constant 0 : i32
    %dma_start3A_83 = tpu.memref_slice %arg11[%dma_start3A_82] : memref<4096xf32, #tpu.memory_space<vmem>> -> memref<2048xf32, #tpu.memory_space<vmem>>
    %dma_start3A_84 = tpu.memref_slice %arg4[%mul3A_78] : memref<6400000xf32, #tpu.memory_space<hbm>> -> memref<2048xf32, #tpu.memory_space<hbm>>
    tpu.enqueue_dma source(%dma_start3A_84 : memref<2048xf32, #tpu.memory_space<hbm>>) target(%dma_start3A_83 : memref<2048xf32, #tpu.memory_space<vmem>>) target_semaphore(%arg21 : memref<!tpu.dma_semaphore, #tpu.memory_space<semaphore_mem>>)
    %while3A_85 = arith.constant 0 : i32
    %while3A_86 = arith.constant 0 : i32
    %while3A_87 = arith.subi %select_n3A_43, %while3A_85 : i32
    %while3A_88 = arith.addi %while3A_85, %while3A_87 : i32
    %while3A_89 = arith.constant 1 : i32
    %while3A_90 = arith.divsi %while3A_87, %while3A_89 : i32
    %while3A_91 = arith.muli %while3A_90, %while3A_89 : i32
    %while3A_92 = arith.addi %while3A_85, %while3A_91 : i32
    %while3A_93 = arith.constant 1 : i32
    %while3A_94 = scf.for %while3A_113 = %while3A_85 to %while3A_92 step %while3A_93 iter_args(%while3A_114 = %while3A_86) -> (i32)  : i32 {
      %rem3A = arith.constant 2 : i32
      %rem3A_115 = arith.remsi %while3A_113, %rem3A : i32
      %mul3A_116 = arith.constant 2048 : i32
      %mul3A_117 = arith.muli %rem3A_115, %mul3A_116 : i32
      %dma_wait3A = arith.constant 0 : i32
      %dma_wait3A_118 = tpu.memref_slice %arg8[%mul3A_117] : memref<4096xi32, #tpu.memory_space<vmem>> -> memref<2048xi32, #tpu.memory_space<vmem>>
      %dma_wait3A_119 = arith.constant 0 : i32
      %dma_wait3A_120 = tpu.memref_slice %arg2[%dma_wait3A, %dma_wait3A_119] : memref<2x6400000xi32, #tpu.memory_space<hbm>> -> memref<1x2048xi32, #tpu.memory_space<hbm>>
      %dma_wait3A_121 = tpu.memref_squeeze %dma_wait3A_120 : memref<1x2048xi32, #tpu.memory_space<hbm>> -> memref<2048xi32, #tpu.memory_space<hbm>>
      %dma_wait3A_122 = tpu.memref_slice %arg8[%mul3A_117] : memref<4096xi32, #tpu.memory_space<vmem>> -> memref<2048xi32, #tpu.memory_space<vmem>>
      %dma_wait3A_123 = arith.constant 0 : i32
      %dma_wait3A_124 = tpu.memref_slice %arg2[%dma_wait3A, %dma_wait3A_123] : memref<2x6400000xi32, #tpu.memory_space<hbm>> -> memref<1x2048xi32, #tpu.memory_space<hbm>>
      %dma_wait3A_125 = tpu.memref_squeeze %dma_wait3A_124 : memref<1x2048xi32, #tpu.memory_space<hbm>> -> memref<2048xi32, #tpu.memory_space<hbm>>
      tpu.wait_dma2 semaphore(%arg21 : memref<!tpu.dma_semaphore, #tpu.memory_space<semaphore_mem>>) src(%dma_wait3A_125 : memref<2048xi32, #tpu.memory_space<hbm>>) dst(%dma_wait3A_122 : memref<2048xi32, #tpu.memory_space<vmem>>)
      %dma_wait3A_126 = arith.constant 1 : i32
      %dma_wait3A_127 = tpu.memref_slice %arg9[%mul3A_117] : memref<4096xi32, #tpu.memory_space<vmem>> -> memref<2048xi32, #tpu.memory_space<vmem>>
      %dma_wait3A_128 = arith.constant 0 : i32
      %dma_wait3A_129 = tpu.memref_slice %arg2[%dma_wait3A_126, %dma_wait3A_128] : memref<2x6400000xi32, #tpu.memory_space<hbm>> -> memref<1x2048xi32, #tpu.memory_space<hbm>>
      %dma_wait3A_130 = tpu.memref_squeeze %dma_wait3A_129 : memref<1x2048xi32, #tpu.memory_space<hbm>> -> memref<2048xi32, #tpu.memory_space<hbm>>
      %dma_wait3A_131 = tpu.memref_slice %arg9[%mul3A_117] : memref<4096xi32, #tpu.memory_space<vmem>> -> memref<2048xi32, #tpu.memory_space<vmem>>
      %dma_wait3A_132 = arith.constant 0 : i32
      %dma_wait3A_133 = tpu.memref_slice %arg2[%dma_wait3A_126, %dma_wait3A_132] : memref<2x6400000xi32, #tpu.memory_space<hbm>> -> memref<1x2048xi32, #tpu.memory_space<hbm>>
      %dma_wait3A_134 = tpu.memref_squeeze %dma_wait3A_133 : memref<1x2048xi32, #tpu.memory_space<hbm>> -> memref<2048xi32, #tpu.memory_space<hbm>>
      tpu.wait_dma2 semaphore(%arg21 : memref<!tpu.dma_semaphore, #tpu.memory_space<semaphore_mem>>) src(%dma_wait3A_134 : memref<2048xi32, #tpu.memory_space<hbm>>) dst(%dma_wait3A_131 : memref<2048xi32, #tpu.memory_space<vmem>>)
      %dma_wait3A_135 = tpu.memref_slice %arg10[%mul3A_117] : memref<4096xf32, #tpu.memory_space<vmem>> -> memref<2048xf32, #tpu.memory_space<vmem>>
      %dma_wait3A_136 = arith.constant 0 : i32
      %dma_wait3A_137 = tpu.memref_slice %arg3[%dma_wait3A_136] : memref<6400000xf32, #tpu.memory_space<hbm>> -> memref<2048xf32, #tpu.memory_space<hbm>>
      %dma_wait3A_138 = tpu.memref_slice %arg10[%mul3A_117] : memref<4096xf32, #tpu.memory_space<vmem>> -> memref<2048xf32, #tpu.memory_space<vmem>>
      %dma_wait3A_139 = arith.constant 0 : i32
      %dma_wait3A_140 = tpu.memref_slice %arg3[%dma_wait3A_139] : memref<6400000xf32, #tpu.memory_space<hbm>> -> memref<2048xf32, #tpu.memory_space<hbm>>
      tpu.wait_dma2 semaphore(%arg21 : memref<!tpu.dma_semaphore, #tpu.memory_space<semaphore_mem>>) src(%dma_wait3A_140 : memref<2048xf32, #tpu.memory_space<hbm>>) dst(%dma_wait3A_138 : memref<2048xf32, #tpu.memory_space<vmem>>)
      %dma_wait3A_141 = tpu.memref_slice %arg11[%mul3A_117] : memref<4096xf32, #tpu.memory_space<vmem>> -> memref<2048xf32, #tpu.memory_space<vmem>>
      %dma_wait3A_142 = arith.constant 0 : i32
      %dma_wait3A_143 = tpu.memref_slice %arg4[%dma_wait3A_142] : memref<6400000xf32, #tpu.memory_space<hbm>> -> memref<2048xf32, #tpu.memory_space<hbm>>
      %dma_wait3A_144 = tpu.memref_slice %arg11[%mul3A_117] : memref<4096xf32, #tpu.memory_space<vmem>> -> memref<2048xf32, #tpu.memory_space<vmem>>
      %dma_wait3A_145 = arith.constant 0 : i32
      %dma_wait3A_146 = tpu.memref_slice %arg4[%dma_wait3A_145] : memref<6400000xf32, #tpu.memory_space<hbm>> -> memref<2048xf32, #tpu.memory_space<hbm>>
      tpu.wait_dma2 semaphore(%arg21 : memref<!tpu.dma_semaphore, #tpu.memory_space<semaphore_mem>>) src(%dma_wait3A_146 : memref<2048xf32, #tpu.memory_space<hbm>>) dst(%dma_wait3A_144 : memref<2048xf32, #tpu.memory_space<vmem>>)
      %add3A_147 = arith.constant 1 : i32
      %add3A_148 = arith.addi %while3A_113, %add3A_147 : i32
      %lt3A_149 = arith.cmpi slt, %add3A_148, %select_n3A_43 : i32
      %convert_element_type3A_150 = arith.extui %lt3A_149 : i1 to i32
      %cond3A_151 = arith.constant 0 : i32
      %cond3A_152 = arith.cmpi ne, %convert_element_type3A_150, %cond3A_151 : i32
      scf.if %cond3A_152 {
        %add3A_168 = arith.addi %add3A_47, %while3A_113 : i32
        %add3A_169 = arith.constant 1 : i32
        %add3A_170 = arith.addi %add3A_168, %add3A_169 : i32
        %sub3A = arith.constant 2048 : i32
        %sub3A_171 = arith.subi %sub3A, %mul3A_117 : i32
        %mul3A_172 = arith.constant 2048 : i32
        %mul3A_173 = arith.muli %add3A_170, %mul3A_172 : i32
        %dma_start3A_174 = arith.constant 0 : i32
        %dma_start3A_175 = tpu.memref_slice %arg8[%sub3A_171] : memref<4096xi32, #tpu.memory_space<vmem>> -> memref<2048xi32, #tpu.memory_space<vmem>>
        %dma_start3A_176 = tpu.memref_slice %arg2[%dma_start3A_174, %mul3A_173] : memref<2x6400000xi32, #tpu.memory_space<hbm>> -> memref<1x2048xi32, #tpu.memory_space<hbm>>
        %dma_start3A_177 = tpu.memref_squeeze %dma_start3A_176 : memref<1x2048xi32, #tpu.memory_space<hbm>> -> memref<2048xi32, #tpu.memory_space<hbm>>
        %dma_start3A_178 = tpu.memref_slice %arg8[%sub3A_171] : memref<4096xi32, #tpu.memory_space<vmem>> -> memref<2048xi32, #tpu.memory_space<vmem>>
        %dma_start3A_179 = tpu.memref_slice %arg2[%dma_start3A_174, %mul3A_173] : memref<2x6400000xi32, #tpu.memory_space<hbm>> -> memref<1x2048xi32, #tpu.memory_space<hbm>>
        %dma_start3A_180 = tpu.memref_squeeze %dma_start3A_179 : memref<1x2048xi32, #tpu.memory_space<hbm>> -> memref<2048xi32, #tpu.memory_space<hbm>>
        tpu.enqueue_dma source(%dma_start3A_180 : memref<2048xi32, #tpu.memory_space<hbm>>) target(%dma_start3A_178 : memref<2048xi32, #tpu.memory_space<vmem>>) target_semaphore(%arg21 : memref<!tpu.dma_semaphore, #tpu.memory_space<semaphore_mem>>)
        %mul3A_181 = arith.constant 2048 : i32
        %mul3A_182 = arith.muli %add3A_170, %mul3A_181 : i32
        %dma_start3A_183 = arith.constant 1 : i32
        %dma_start3A_184 = tpu.memref_slice %arg9[%sub3A_171] : memref<4096xi32, #tpu.memory_space<vmem>> -> memref<2048xi32, #tpu.memory_space<vmem>>
        %dma_start3A_185 = tpu.memref_slice %arg2[%dma_start3A_183, %mul3A_182] : memref<2x6400000xi32, #tpu.memory_space<hbm>> -> memref<1x2048xi32, #tpu.memory_space<hbm>>
        %dma_start3A_186 = tpu.memref_squeeze %dma_start3A_185 : memref<1x2048xi32, #tpu.memory_space<hbm>> -> memref<2048xi32, #tpu.memory_space<hbm>>
        %dma_start3A_187 = tpu.memref_slice %arg9[%sub3A_171] : memref<4096xi32, #tpu.memory_space<vmem>> -> memref<2048xi32, #tpu.memory_space<vmem>>
        %dma_start3A_188 = tpu.memref_slice %arg2[%dma_start3A_183, %mul3A_182] : memref<2x6400000xi32, #tpu.memory_space<hbm>> -> memref<1x2048xi32, #tpu.memory_space<hbm>>
        %dma_start3A_189 = tpu.memref_squeeze %dma_start3A_188 : memref<1x2048xi32, #tpu.memory_space<hbm>> -> memref<2048xi32, #tpu.memory_space<hbm>>
        tpu.enqueue_dma source(%dma_start3A_189 : memref<2048xi32, #tpu.memory_space<hbm>>) target(%dma_start3A_187 : memref<2048xi32, #tpu.memory_space<vmem>>) target_semaphore(%arg21 : memref<!tpu.dma_semaphore, #tpu.memory_space<semaphore_mem>>)
        %mul3A_190 = arith.constant 2048 : i32
        %mul3A_191 = arith.muli %add3A_170, %mul3A_190 : i32
        %dma_start3A_192 = tpu.memref_slice %arg10[%sub3A_171] : memref<4096xf32, #tpu.memory_space<vmem>> -> memref<2048xf32, #tpu.memory_space<vmem>>
        %dma_start3A_193 = tpu.memref_slice %arg3[%mul3A_191] : memref<6400000xf32, #tpu.memory_space<hbm>> -> memref<2048xf32, #tpu.memory_space<hbm>>
        %dma_start3A_194 = tpu.memref_slice %arg10[%sub3A_171] : memref<4096xf32, #tpu.memory_space<vmem>> -> memref<2048xf32, #tpu.memory_space<vmem>>
        %dma_start3A_195 = tpu.memref_slice %arg3[%mul3A_191] : memref<6400000xf32, #tpu.memory_space<hbm>> -> memref<2048xf32, #tpu.memory_space<hbm>>
        tpu.enqueue_dma source(%dma_start3A_195 : memref<2048xf32, #tpu.memory_space<hbm>>) target(%dma_start3A_194 : memref<2048xf32, #tpu.memory_space<vmem>>) target_semaphore(%arg21 : memref<!tpu.dma_semaphore, #tpu.memory_space<semaphore_mem>>)
        %mul3A_196 = arith.constant 2048 : i32
        %mul3A_197 = arith.muli %add3A_170, %mul3A_196 : i32
        %dma_start3A_198 = tpu.memref_slice %arg11[%sub3A_171] : memref<4096xf32, #tpu.memory_space<vmem>> -> memref<2048xf32, #tpu.memory_space<vmem>>
        %dma_start3A_199 = tpu.memref_slice %arg4[%mul3A_197] : memref<6400000xf32, #tpu.memory_space<hbm>> -> memref<2048xf32, #tpu.memory_space<hbm>>
        %dma_start3A_200 = tpu.memref_slice %arg11[%sub3A_171] : memref<4096xf32, #tpu.memory_space<vmem>> -> memref<2048xf32, #tpu.memory_space<vmem>>
        %dma_start3A_201 = tpu.memref_slice %arg4[%mul3A_197] : memref<6400000xf32, #tpu.memory_space<hbm>> -> memref<2048xf32, #tpu.memory_space<hbm>>
        tpu.enqueue_dma source(%dma_start3A_201 : memref<2048xf32, #tpu.memory_space<hbm>>) target(%dma_start3A_200 : memref<2048xf32, #tpu.memory_space<vmem>>) target_semaphore(%arg21 : memref<!tpu.dma_semaphore, #tpu.memory_space<semaphore_mem>>)
      } else {
      }
      "tpu.region"() ({
        %run_scoped3A = tpu.sem_alloc : memref<!tpu.dma_semaphore, #tpu.memory_space<semaphore_mem>>
        %dma_start3A_168 = tpu.memref_slice %arg8[%mul3A_117] : memref<4096xi32, #tpu.memory_space<vmem>> -> memref<2048xi32, #tpu.memory_space<vmem>>
        %dma_start3A_169 = arith.constant 0 : i32
        %dma_start3A_170 = tpu.memref_slice %arg20[%dma_start3A_169] : memref<100480xf32, #tpu.memory_space<vmem_shared>> -> memref<100480xf32, #tpu.memory_space<vmem_shared>>
        tpu.enqueue_indirect_dma source(%dma_start3A_170 : memref<100480xf32, #tpu.memory_space<vmem_shared>>) target(%arg12 : memref<2048xf32, #tpu.memory_space<vmem>>) offsets(%dma_start3A_168 : memref<2048xi32, #tpu.memory_space<vmem>>) semaphore(%run_scoped3A : memref<!tpu.dma_semaphore, #tpu.memory_space<semaphore_mem>>)
        %dma_wait3A_171 = tpu.memref_slice %arg8[%mul3A_117] : memref<4096xi32, #tpu.memory_space<vmem>> -> memref<2048xi32, #tpu.memory_space<vmem>>
        %dma_wait3A_172 = arith.constant 0 : i32
        %dma_wait3A_173 = tpu.memref_slice %arg20[%dma_wait3A_172] : memref<100480xf32, #tpu.memory_space<vmem_shared>> -> memref<100480xf32, #tpu.memory_space<vmem_shared>>
        tpu.wait_indirect_dma semaphore(%run_scoped3A : memref<!tpu.dma_semaphore, #tpu.memory_space<semaphore_mem>>) src(%dma_wait3A_173 : memref<100480xf32, #tpu.memory_space<vmem_shared>>) dst(%arg12 : memref<2048xf32, #tpu.memory_space<vmem>>)
        tpu.yield
      }) : () -> ()
      "tpu.region"() ({
        %run_scoped3A = tpu.sem_alloc : memref<!tpu.dma_semaphore, #tpu.memory_space<semaphore_mem>>
        %dma_start3A_168 = tpu.memref_slice %arg8[%mul3A_117] : memref<4096xi32, #tpu.memory_space<vmem>> -> memref<2048xi32, #tpu.memory_space<vmem>>
        %dma_start3A_169 = arith.constant 0 : i32
        %dma_start3A_170 = tpu.memref_slice %arg19[%dma_start3A_169] : memref<100480xf32, #tpu.memory_space<vmem_shared>> -> memref<100480xf32, #tpu.memory_space<vmem_shared>>
        tpu.enqueue_indirect_dma source(%dma_start3A_170 : memref<100480xf32, #tpu.memory_space<vmem_shared>>) target(%arg13 : memref<2048xf32, #tpu.memory_space<vmem>>) offsets(%dma_start3A_168 : memref<2048xi32, #tpu.memory_space<vmem>>) semaphore(%run_scoped3A : memref<!tpu.dma_semaphore, #tpu.memory_space<semaphore_mem>>)
        %dma_wait3A_171 = tpu.memref_slice %arg8[%mul3A_117] : memref<4096xi32, #tpu.memory_space<vmem>> -> memref<2048xi32, #tpu.memory_space<vmem>>
        %dma_wait3A_172 = arith.constant 0 : i32
        %dma_wait3A_173 = tpu.memref_slice %arg19[%dma_wait3A_172] : memref<100480xf32, #tpu.memory_space<vmem_shared>> -> memref<100480xf32, #tpu.memory_space<vmem_shared>>
        tpu.wait_indirect_dma semaphore(%run_scoped3A : memref<!tpu.dma_semaphore, #tpu.memory_space<semaphore_mem>>) src(%dma_wait3A_173 : memref<100480xf32, #tpu.memory_space<vmem_shared>>) dst(%arg13 : memref<2048xf32, #tpu.memory_space<vmem>>)
        tpu.yield
      }) : () -> ()
      "tpu.region"() ({
        %run_scoped3A = tpu.sem_alloc : memref<!tpu.dma_semaphore, #tpu.memory_space<semaphore_mem>>
        %dma_start3A_168 = tpu.memref_slice %arg9[%mul3A_117] : memref<4096xi32, #tpu.memory_space<vmem>> -> memref<2048xi32, #tpu.memory_space<vmem>>
        %dma_start3A_169 = arith.constant 0 : i32
        %dma_start3A_170 = tpu.memref_slice %arg19[%dma_start3A_169] : memref<100480xf32, #tpu.memory_space<vmem_shared>> -> memref<100480xf32, #tpu.memory_space<vmem_shared>>
        tpu.enqueue_indirect_dma source(%dma_start3A_170 : memref<100480xf32, #tpu.memory_space<vmem_shared>>) target(%arg14 : memref<2048xf32, #tpu.memory_space<vmem>>) offsets(%dma_start3A_168 : memref<2048xi32, #tpu.memory_space<vmem>>) semaphore(%run_scoped3A : memref<!tpu.dma_semaphore, #tpu.memory_space<semaphore_mem>>)
        %dma_wait3A_171 = tpu.memref_slice %arg9[%mul3A_117] : memref<4096xi32, #tpu.memory_space<vmem>> -> memref<2048xi32, #tpu.memory_space<vmem>>
        %dma_wait3A_172 = arith.constant 0 : i32
        %dma_wait3A_173 = tpu.memref_slice %arg19[%dma_wait3A_172] : memref<100480xf32, #tpu.memory_space<vmem_shared>> -> memref<100480xf32, #tpu.memory_space<vmem_shared>>
        tpu.wait_indirect_dma semaphore(%run_scoped3A : memref<!tpu.dma_semaphore, #tpu.memory_space<semaphore_mem>>) src(%dma_wait3A_173 : memref<100480xf32, #tpu.memory_space<vmem_shared>>) dst(%arg14 : memref<2048xf32, #tpu.memory_space<vmem>>)
        tpu.yield
      }) : () -> ()
      %scan3A_153 = arith.constant 0 : i32
      %scan3A_154 = arith.constant 0 : i32
      %scan3A_155 = arith.constant 128 : i32
      %scan3A_156 = arith.addi %scan3A_154, %scan3A_155 : i32
      %scan3A_157 = arith.constant 1 : i32
      %scan3A_158 = scf.for %scan3A_168 = %scan3A_154 to %scan3A_156 step %scan3A_157 iter_args(%scan3A_169 = %scan3A_153) -> (i32)  : i32 {
        %mul3A_170 = arith.constant 16 : i32
        %mul3A_171 = arith.muli %scan3A_168, %mul3A_170 : i32
        %add3A_172 = arith.addi %mul3A_117, %mul3A_171 : i32
        %get3A = arith.index_cast %add3A_172 : i32 to index
        %get3A_173 = tpu.vector_load %arg9[%get3A] {strides = array<i32>} : memref<4096xi32, #tpu.memory_space<vmem>>, vector<16xi32>,
        %get3A_174 = vector.shape_cast %get3A_173 : vector<16xi32> to vector<16xi32>
        %get3A_175 = arith.index_cast %mul3A_171 : i32 to index
        %get3A_176 = tpu.vector_load %arg12[%get3A_175] {strides = array<i32>} : memref<2048xf32, #tpu.memory_space<vmem>>, vector<16xf32>,
        %get3A_177 = vector.shape_cast %get3A_176 : vector<16xf32> to vector<16xf32>
        %get3A_178 = arith.index_cast %mul3A_171 : i32 to index
        %get3A_179 = tpu.vector_load %arg14[%get3A_178] {strides = array<i32>} : memref<2048xf32, #tpu.memory_space<vmem>>, vector<16xf32>,
        %get3A_180 = vector.shape_cast %get3A_179 : vector<16xf32> to vector<16xf32>
        %get3A_181 = arith.index_cast %mul3A_171 : i32 to index
        %get3A_182 = tpu.vector_load %arg13[%get3A_181] {strides = array<i32>} : memref<2048xf32, #tpu.memory_space<vmem>>, vector<16xf32>,
        %get3A_183 = vector.shape_cast %get3A_182 : vector<16xf32> to vector<16xf32>
        %sub3A = arith.subf %get3A_180, %get3A_183 : vector<16xf32>
        %add3A_184 = arith.addi %mul3A_117, %mul3A_171 : i32
        %get3A_185 = arith.index_cast %add3A_184 : i32 to index
        %get3A_186 = tpu.vector_load %arg10[%get3A_185] {strides = array<i32>} : memref<4096xf32, #tpu.memory_space<vmem>>, vector<16xf32>,
        %get3A_187 = vector.shape_cast %get3A_186 : vector<16xf32> to vector<16xf32>
        %lt3A_188 = arith.constant 0.000000e+00 : f32
        %lt3A_189 = vector.broadcast %lt3A_188 : f32 to vector<16xf32>
        %lt3A_190 = arith.cmpf olt, %get3A_187, %lt3A_189 : vector<16xf32>
        %ne3A = arith.constant 0.000000e+00 : f32
        %ne3A_191 = vector.broadcast %ne3A : f32 to vector<16xf32>
        %ne3A_192 = arith.cmpf one, %get3A_187, %ne3A_191 : vector<16xf32>
        %jit3A_193 = arith.constant 100480 : i32
        %jit3A_194 = arith.constant 0 : i32
        %broadcast_in_dim3A_195 = vector.broadcast %jit3A_193 : i32 to vector<16xi32>
        %broadcast_in_dim3A_196 = vector.broadcast %jit3A_194 : i32 to vector<16xi32>
        %select_n3A_197 = arith.select %lt3A_190, %broadcast_in_dim3A_195, %broadcast_in_dim3A_196 : vector<16xi1>, vector<16xi32>
        %add3A_198 = arith.addi %get3A_174, %select_n3A_197 : vector<16xi32>
        %jit3A_199 = arith.constant 100224 : i32
        %broadcast_in_dim3A_200 = vector.broadcast %jit3A_199 : i32 to vector<16xi32>
        %select_n3A_201 = arith.select %ne3A_192, %add3A_198, %broadcast_in_dim3A_200 : vector<16xi1>, vector<16xi32>
        %add3A_202 = arith.constant 0 : i32
        %add3A_203 = vector.broadcast %add3A_202 : i32 to vector<16xi32>
        %add3A_204 = arith.addi %select_n3A_201, %add3A_203 : vector<16xi32>
        %swap3A = arith.index_cast %mul3A_171 : i32 to index
        %swap3A_205 = tpu.vector_load %arg15[%swap3A] {strides = array<i32>} : memref<6144xi32, #tpu.memory_space<vmem>>, vector<16xi32>,
        %swap3A_206 = vector.shape_cast %swap3A_205 : vector<16xi32> to vector<16xi32>
        %swap3A_207 = vector.shape_cast %add3A_204 : vector<16xi32> to vector<16xi32>
        tpu.vector_store %arg15[%swap3A], %swap3A_207 {strides = array<i32>} : memref<6144xi32, #tpu.memory_space<vmem>>, vector<16xi32>,
        %add3A_208 = arith.constant 200960 : i32
        %add3A_209 = vector.broadcast %add3A_208 : i32 to vector<16xi32>
        %add3A_210 = arith.addi %select_n3A_201, %add3A_209 : vector<16xi32>
        %add3A_211 = arith.constant 2048 : i32
        %add3A_212 = arith.addi %add3A_211, %mul3A_171 : i32
        %swap3A_213 = arith.index_cast %add3A_212 : i32 to index
        %swap3A_214 = tpu.vector_load %arg15[%swap3A_213] {strides = array<i32>} : memref<6144xi32, #tpu.memory_space<vmem>>, vector<16xi32>,
        %swap3A_215 = vector.shape_cast %swap3A_214 : vector<16xi32> to vector<16xi32>
        %swap3A_216 = vector.shape_cast %add3A_210 : vector<16xi32> to vector<16xi32>
        tpu.vector_store %arg15[%swap3A_213], %swap3A_216 {strides = array<i32>} : memref<6144xi32, #tpu.memory_space<vmem>>, vector<16xi32>,
        %add3A_217 = arith.constant 401920 : i32
        %add3A_218 = vector.broadcast %add3A_217 : i32 to vector<16xi32>
        %add3A_219 = arith.addi %select_n3A_201, %add3A_218 : vector<16xi32>
        %add3A_220 = arith.constant 4096 : i32
        %add3A_221 = arith.addi %add3A_220, %mul3A_171 : i32
        %swap3A_222 = arith.index_cast %add3A_221 : i32 to index
        %swap3A_223 = tpu.vector_load %arg15[%swap3A_222] {strides = array<i32>} : memref<6144xi32, #tpu.memory_space<vmem>>, vector<16xi32>,
        %swap3A_224 = vector.shape_cast %swap3A_223 : vector<16xi32> to vector<16xi32>
        %swap3A_225 = vector.shape_cast %add3A_219 : vector<16xi32> to vector<16xi32>
        tpu.vector_store %arg15[%swap3A_222], %swap3A_225 {strides = array<i32>} : memref<6144xi32, #tpu.memory_space<vmem>>, vector<16xi32>,
        %swap3A_226 = arith.index_cast %mul3A_171 : i32 to index
        %swap3A_227 = tpu.vector_load %arg16[%swap3A_226] {strides = array<i32>} : memref<6144xf32, #tpu.memory_space<vmem>>, vector<16xf32>,
        %swap3A_228 = vector.shape_cast %swap3A_227 : vector<16xf32> to vector<16xf32>
        %swap3A_229 = vector.shape_cast %get3A_177 : vector<16xf32> to vector<16xf32>
        tpu.vector_store %arg16[%swap3A_226], %swap3A_229 {strides = array<i32>} : memref<6144xf32, #tpu.memory_space<vmem>>, vector<16xf32>,
        %div3A = arith.divf %sub3A, %get3A_187 : vector<16xf32>
        %add3A_230 = arith.constant 2048 : i32
        %add3A_231 = arith.addi %add3A_230, %mul3A_171 : i32
        %swap3A_232 = arith.index_cast %add3A_231 : i32 to index
        %swap3A_233 = tpu.vector_load %arg16[%swap3A_232] {strides = array<i32>} : memref<6144xf32, #tpu.memory_space<vmem>>, vector<16xf32>,
        %swap3A_234 = vector.shape_cast %swap3A_233 : vector<16xf32> to vector<16xf32>
        %swap3A_235 = vector.shape_cast %div3A : vector<16xf32> to vector<16xf32>
        tpu.vector_store %arg16[%swap3A_232], %swap3A_235 {strides = array<i32>} : memref<6144xf32, #tpu.memory_space<vmem>>, vector<16xf32>,
        %scan3A_236 = arith.constant 0 : i32
        scf.yield %scan3A_236 : i32
      }
      %scan3A_159 = arith.constant 128 : i32
      "tpu.region"() ({
        %run_scoped3A = tpu.sem_alloc : memref<!tpu.dma_semaphore, #tpu.memory_space<semaphore_mem>>
        %dma_start3A_168 = arith.constant 0 : i32
        %dma_start3A_169 = tpu.memref_slice %arg18[%dma_start3A_168] : memref<1205760xf32, #tpu.memory_space<vmem_shared>> -> memref<1205760xf32, #tpu.memory_space<vmem_shared>>
        tpu.enqueue_indirect_dma source(%arg16 : memref<6144xf32, #tpu.memory_space<vmem>>) target(%dma_start3A_169 : memref<1205760xf32, #tpu.memory_space<vmem_shared>>) offsets(%arg15 : memref<6144xi32, #tpu.memory_space<vmem>>) semaphore(%run_scoped3A : memref<!tpu.dma_semaphore, #tpu.memory_space<semaphore_mem>>) {add = true}
        %dma_wait3A_170 = arith.constant 0 : i32
        %dma_wait3A_171 = tpu.memref_slice %arg18[%dma_wait3A_170] : memref<1205760xf32, #tpu.memory_space<vmem_shared>> -> memref<1205760xf32, #tpu.memory_space<vmem_shared>>
        tpu.wait_indirect_dma semaphore(%run_scoped3A : memref<!tpu.dma_semaphore, #tpu.memory_space<semaphore_mem>>) src(%arg16 : memref<6144xf32, #tpu.memory_space<vmem>>) dst(%dma_wait3A_171 : memref<1205760xf32, #tpu.memory_space<vmem_shared>>)
        tpu.yield
      }) : () -> ()
      %scan3A_160 = arith.constant 0 : i32
      %scan3A_161 = arith.constant 0 : i32
      %scan3A_162 = arith.constant 128 : i32
      %scan3A_163 = arith.addi %scan3A_161, %scan3A_162 : i32
      %scan3A_164 = arith.constant 1 : i32
      %scan3A_165 = scf.for %scan3A_168 = %scan3A_161 to %scan3A_163 step %scan3A_164 iter_args(%scan3A_169 = %scan3A_160) -> (i32)  : i32 {
        %mul3A_170 = arith.constant 16 : i32
        %mul3A_171 = arith.muli %scan3A_168, %mul3A_170 : i32
        %add3A_172 = arith.addi %mul3A_117, %mul3A_171 : i32
        %get3A = arith.index_cast %add3A_172 : i32 to index
        %get3A_173 = tpu.vector_load %arg9[%get3A] {strides = array<i32>} : memref<4096xi32, #tpu.memory_space<vmem>>, vector<16xi32>,
        %get3A_174 = vector.shape_cast %get3A_173 : vector<16xi32> to vector<16xi32>
        %get3A_175 = arith.index_cast %mul3A_171 : i32 to index
        %get3A_176 = tpu.vector_load %arg12[%get3A_175] {strides = array<i32>} : memref<2048xf32, #tpu.memory_space<vmem>>, vector<16xf32>,
        %get3A_177 = vector.shape_cast %get3A_176 : vector<16xf32> to vector<16xf32>
        %get3A_178 = arith.index_cast %mul3A_171 : i32 to index
        %get3A_179 = tpu.vector_load %arg14[%get3A_178] {strides = array<i32>} : memref<2048xf32, #tpu.memory_space<vmem>>, vector<16xf32>,
        %get3A_180 = vector.shape_cast %get3A_179 : vector<16xf32> to vector<16xf32>
        %get3A_181 = arith.index_cast %mul3A_171 : i32 to index
        %get3A_182 = tpu.vector_load %arg13[%get3A_181] {strides = array<i32>} : memref<2048xf32, #tpu.memory_space<vmem>>, vector<16xf32>,
        %get3A_183 = vector.shape_cast %get3A_182 : vector<16xf32> to vector<16xf32>
        %sub3A = arith.subf %get3A_180, %get3A_183 : vector<16xf32>
        %add3A_184 = arith.addi %mul3A_117, %mul3A_171 : i32
        %get3A_185 = arith.index_cast %add3A_184 : i32 to index
        %get3A_186 = tpu.vector_load %arg11[%get3A_185] {strides = array<i32>} : memref<4096xf32, #tpu.memory_space<vmem>>, vector<16xf32>,
        %get3A_187 = vector.shape_cast %get3A_186 : vector<16xf32> to vector<16xf32>
        %lt3A_188 = arith.constant 0.000000e+00 : f32
        %lt3A_189 = vector.broadcast %lt3A_188 : f32 to vector<16xf32>
        %lt3A_190 = arith.cmpf olt, %get3A_187, %lt3A_189 : vector<16xf32>
        %ne3A = arith.constant 0.000000e+00 : f32
        %ne3A_191 = vector.broadcast %ne3A : f32 to vector<16xf32>
        %ne3A_192 = arith.cmpf one, %get3A_187, %ne3A_191 : vector<16xf32>
        %jit3A_193 = arith.constant 100480 : i32
        %jit3A_194 = arith.constant 0 : i32
        %broadcast_in_dim3A_195 = vector.broadcast %jit3A_193 : i32 to vector<16xi32>
        %broadcast_in_dim3A_196 = vector.broadcast %jit3A_194 : i32 to vector<16xi32>
        %select_n3A_197 = arith.select %lt3A_190, %broadcast_in_dim3A_195, %broadcast_in_dim3A_196 : vector<16xi1>, vector<16xi32>
        %add3A_198 = arith.addi %get3A_174, %select_n3A_197 : vector<16xi32>
        %jit3A_199 = arith.constant 100224 : i32
        %broadcast_in_dim3A_200 = vector.broadcast %jit3A_199 : i32 to vector<16xi32>
        %select_n3A_201 = arith.select %ne3A_192, %add3A_198, %broadcast_in_dim3A_200 : vector<16xi1>, vector<16xi32>
        %add3A_202 = arith.constant 602880 : i32
        %add3A_203 = vector.broadcast %add3A_202 : i32 to vector<16xi32>
        %add3A_204 = arith.addi %select_n3A_201, %add3A_203 : vector<16xi32>
        %swap3A = arith.index_cast %mul3A_171 : i32 to index
        %swap3A_205 = tpu.vector_load %arg15[%swap3A] {strides = array<i32>} : memref<6144xi32, #tpu.memory_space<vmem>>, vector<16xi32>,
        %swap3A_206 = vector.shape_cast %swap3A_205 : vector<16xi32> to vector<16xi32>
        %swap3A_207 = vector.shape_cast %add3A_204 : vector<16xi32> to vector<16xi32>
        tpu.vector_store %arg15[%swap3A], %swap3A_207 {strides = array<i32>} : memref<6144xi32, #tpu.memory_space<vmem>>, vector<16xi32>,
        %add3A_208 = arith.constant 803840 : i32
        %add3A_209 = vector.broadcast %add3A_208 : i32 to vector<16xi32>
        %add3A_210 = arith.addi %select_n3A_201, %add3A_209 : vector<16xi32>
        %add3A_211 = arith.constant 2048 : i32
        %add3A_212 = arith.addi %add3A_211, %mul3A_171 : i32
        %swap3A_213 = arith.index_cast %add3A_212 : i32 to index
        %swap3A_214 = tpu.vector_load %arg15[%swap3A_213] {strides = array<i32>} : memref<6144xi32, #tpu.memory_space<vmem>>, vector<16xi32>,
        %swap3A_215 = vector.shape_cast %swap3A_214 : vector<16xi32> to vector<16xi32>
        %swap3A_216 = vector.shape_cast %add3A_210 : vector<16xi32> to vector<16xi32>
        tpu.vector_store %arg15[%swap3A_213], %swap3A_216 {strides = array<i32>} : memref<6144xi32, #tpu.memory_space<vmem>>, vector<16xi32>,
        %add3A_217 = arith.constant 1004800 : i32
        %add3A_218 = vector.broadcast %add3A_217 : i32 to vector<16xi32>
        %add3A_219 = arith.addi %select_n3A_201, %add3A_218 : vector<16xi32>
        %add3A_220 = arith.constant 4096 : i32
        %add3A_221 = arith.addi %add3A_220, %mul3A_171 : i32
        %swap3A_222 = arith.index_cast %add3A_221 : i32 to index
        %swap3A_223 = tpu.vector_load %arg15[%swap3A_222] {strides = array<i32>} : memref<6144xi32, #tpu.memory_space<vmem>>, vector<16xi32>,
        %swap3A_224 = vector.shape_cast %swap3A_223 : vector<16xi32> to vector<16xi32>
        %swap3A_225 = vector.shape_cast %add3A_219 : vector<16xi32> to vector<16xi32>
        tpu.vector_store %arg15[%swap3A_222], %swap3A_225 {strides = array<i32>} : memref<6144xi32, #tpu.memory_space<vmem>>, vector<16xi32>,
        %swap3A_226 = arith.index_cast %mul3A_171 : i32 to index
        %swap3A_227 = tpu.vector_load %arg16[%swap3A_226] {strides = array<i32>} : memref<6144xf32, #tpu.memory_space<vmem>>, vector<16xf32>,
        %swap3A_228 = vector.shape_cast %swap3A_227 : vector<16xf32> to vector<16xf32>
        %swap3A_229 = vector.shape_cast %get3A_177 : vector<16xf32> to vector<16xf32>
        tpu.vector_store %arg16[%swap3A_226], %swap3A_229 {strides = array<i32>} : memref<6144xf32, #tpu.memory_space<vmem>>, vector<16xf32>,
        %div3A = arith.divf %sub3A, %get3A_187 : vector<16xf32>
        %add3A_230 = arith.constant 2048 : i32
        %add3A_231 = arith.addi %add3A_230, %mul3A_171 : i32
        %swap3A_232 = arith.index_cast %add3A_231 : i32 to index
        %swap3A_233 = tpu.vector_load %arg16[%swap3A_232] {strides = array<i32>} : memref<6144xf32, #tpu.memory_space<vmem>>, vector<16xf32>,
        %swap3A_234 = vector.shape_cast %swap3A_233 : vector<16xf32> to vector<16xf32>
        %swap3A_235 = vector.shape_cast %div3A : vector<16xf32> to vector<16xf32>
        tpu.vector_store %arg16[%swap3A_232], %swap3A_235 {strides = array<i32>} : memref<6144xf32, #tpu.memory_space<vmem>>, vector<16xf32>,
        %scan3A_236 = arith.constant 0 : i32
        scf.yield %scan3A_236 : i32
      }
      %scan3A_166 = arith.constant 128 : i32
      "tpu.region"() ({
        %run_scoped3A = tpu.sem_alloc : memref<!tpu.dma_semaphore, #tpu.memory_space<semaphore_mem>>
        %dma_start3A_168 = arith.constant 0 : i32
        %dma_start3A_169 = tpu.memref_slice %arg18[%dma_start3A_168] : memref<1205760xf32, #tpu.memory_space<vmem_shared>> -> memref<1205760xf32, #tpu.memory_space<vmem_shared>>
        tpu.enqueue_indirect_dma source(%arg16 : memref<6144xf32, #tpu.memory_space<vmem>>) target(%dma_start3A_169 : memref<1205760xf32, #tpu.memory_space<vmem_shared>>) offsets(%arg15 : memref<6144xi32, #tpu.memory_space<vmem>>) semaphore(%run_scoped3A : memref<!tpu.dma_semaphore, #tpu.memory_space<semaphore_mem>>) {add = true}
        %dma_wait3A_170 = arith.constant 0 : i32
        %dma_wait3A_171 = tpu.memref_slice %arg18[%dma_wait3A_170] : memref<1205760xf32, #tpu.memory_space<vmem_shared>> -> memref<1205760xf32, #tpu.memory_space<vmem_shared>>
        tpu.wait_indirect_dma semaphore(%run_scoped3A : memref<!tpu.dma_semaphore, #tpu.memory_space<semaphore_mem>>) src(%arg16 : memref<6144xf32, #tpu.memory_space<vmem>>) dst(%dma_wait3A_171 : memref<1205760xf32, #tpu.memory_space<vmem_shared>>)
        tpu.yield
      }) : () -> ()
      %while3A_167 = arith.constant 0 : i32
      scf.yield %while3A_167 : i32
    }
    %while3A_95 = arith.constant 1 : i32
    %while3A_96 = scf.for %while3A_113 = %while3A_92 to %while3A_88 step %while3A_95 iter_args(%while3A_114 = %while3A_94) -> (i32)  : i32 {
      %rem3A = arith.constant 2 : i32
      %rem3A_115 = arith.remsi %while3A_113, %rem3A : i32
      %mul3A_116 = arith.constant 2048 : i32
      %mul3A_117 = arith.muli %rem3A_115, %mul3A_116 : i32
      %dma_wait3A = arith.constant 0 : i32
      %dma_wait3A_118 = tpu.memref_slice %arg8[%mul3A_117] : memref<4096xi32, #tpu.memory_space<vmem>> -> memref<2048xi32, #tpu.memory_space<vmem>>
      %dma_wait3A_119 = arith.constant 0 : i32
      %dma_wait3A_120 = tpu.memref_slice %arg2[%dma_wait3A, %dma_wait3A_119] : memref<2x6400000xi32, #tpu.memory_space<hbm>> -> memref<1x2048xi32, #tpu.memory_space<hbm>>
      %dma_wait3A_121 = tpu.memref_squeeze %dma_wait3A_120 : memref<1x2048xi32, #tpu.memory_space<hbm>> -> memref<2048xi32, #tpu.memory_space<hbm>>
      %dma_wait3A_122 = tpu.memref_slice %arg8[%mul3A_117] : memref<4096xi32, #tpu.memory_space<vmem>> -> memref<2048xi32, #tpu.memory_space<vmem>>
      %dma_wait3A_123 = arith.constant 0 : i32
      %dma_wait3A_124 = tpu.memref_slice %arg2[%dma_wait3A, %dma_wait3A_123] : memref<2x6400000xi32, #tpu.memory_space<hbm>> -> memref<1x2048xi32, #tpu.memory_space<hbm>>
      %dma_wait3A_125 = tpu.memref_squeeze %dma_wait3A_124 : memref<1x2048xi32, #tpu.memory_space<hbm>> -> memref<2048xi32, #tpu.memory_space<hbm>>
      tpu.wait_dma2 semaphore(%arg21 : memref<!tpu.dma_semaphore, #tpu.memory_space<semaphore_mem>>) src(%dma_wait3A_125 : memref<2048xi32, #tpu.memory_space<hbm>>) dst(%dma_wait3A_122 : memref<2048xi32, #tpu.memory_space<vmem>>)
      %dma_wait3A_126 = arith.constant 1 : i32
      %dma_wait3A_127 = tpu.memref_slice %arg9[%mul3A_117] : memref<4096xi32, #tpu.memory_space<vmem>> -> memref<2048xi32, #tpu.memory_space<vmem>>
      %dma_wait3A_128 = arith.constant 0 : i32
      %dma_wait3A_129 = tpu.memref_slice %arg2[%dma_wait3A_126, %dma_wait3A_128] : memref<2x6400000xi32, #tpu.memory_space<hbm>> -> memref<1x2048xi32, #tpu.memory_space<hbm>>
      %dma_wait3A_130 = tpu.memref_squeeze %dma_wait3A_129 : memref<1x2048xi32, #tpu.memory_space<hbm>> -> memref<2048xi32, #tpu.memory_space<hbm>>
      %dma_wait3A_131 = tpu.memref_slice %arg9[%mul3A_117] : memref<4096xi32, #tpu.memory_space<vmem>> -> memref<2048xi32, #tpu.memory_space<vmem>>
      %dma_wait3A_132 = arith.constant 0 : i32
      %dma_wait3A_133 = tpu.memref_slice %arg2[%dma_wait3A_126, %dma_wait3A_132] : memref<2x6400000xi32, #tpu.memory_space<hbm>> -> memref<1x2048xi32, #tpu.memory_space<hbm>>
      %dma_wait3A_134 = tpu.memref_squeeze %dma_wait3A_133 : memref<1x2048xi32, #tpu.memory_space<hbm>> -> memref<2048xi32, #tpu.memory_space<hbm>>
      tpu.wait_dma2 semaphore(%arg21 : memref<!tpu.dma_semaphore, #tpu.memory_space<semaphore_mem>>) src(%dma_wait3A_134 : memref<2048xi32, #tpu.memory_space<hbm>>) dst(%dma_wait3A_131 : memref<2048xi32, #tpu.memory_space<vmem>>)
      %dma_wait3A_135 = tpu.memref_slice %arg10[%mul3A_117] : memref<4096xf32, #tpu.memory_space<vmem>> -> memref<2048xf32, #tpu.memory_space<vmem>>
      %dma_wait3A_136 = arith.constant 0 : i32
      %dma_wait3A_137 = tpu.memref_slice %arg3[%dma_wait3A_136] : memref<6400000xf32, #tpu.memory_space<hbm>> -> memref<2048xf32, #tpu.memory_space<hbm>>
      %dma_wait3A_138 = tpu.memref_slice %arg10[%mul3A_117] : memref<4096xf32, #tpu.memory_space<vmem>> -> memref<2048xf32, #tpu.memory_space<vmem>>
      %dma_wait3A_139 = arith.constant 0 : i32
      %dma_wait3A_140 = tpu.memref_slice %arg3[%dma_wait3A_139] : memref<6400000xf32, #tpu.memory_space<hbm>> -> memref<2048xf32, #tpu.memory_space<hbm>>
      tpu.wait_dma2 semaphore(%arg21 : memref<!tpu.dma_semaphore, #tpu.memory_space<semaphore_mem>>) src(%dma_wait3A_140 : memref<2048xf32, #tpu.memory_space<hbm>>) dst(%dma_wait3A_138 : memref<2048xf32, #tpu.memory_space<vmem>>)
      %dma_wait3A_141 = tpu.memref_slice %arg11[%mul3A_117] : memref<4096xf32, #tpu.memory_space<vmem>> -> memref<2048xf32, #tpu.memory_space<vmem>>
      %dma_wait3A_142 = arith.constant 0 : i32
      %dma_wait3A_143 = tpu.memref_slice %arg4[%dma_wait3A_142] : memref<6400000xf32, #tpu.memory_space<hbm>> -> memref<2048xf32, #tpu.memory_space<hbm>>
      %dma_wait3A_144 = tpu.memref_slice %arg11[%mul3A_117] : memref<4096xf32, #tpu.memory_space<vmem>> -> memref<2048xf32, #tpu.memory_space<vmem>>
      %dma_wait3A_145 = arith.constant 0 : i32
      %dma_wait3A_146 = tpu.memref_slice %arg4[%dma_wait3A_145] : memref<6400000xf32, #tpu.memory_space<hbm>> -> memref<2048xf32, #tpu.memory_space<hbm>>
      tpu.wait_dma2 semaphore(%arg21 : memref<!tpu.dma_semaphore, #tpu.memory_space<semaphore_mem>>) src(%dma_wait3A_146 : memref<2048xf32, #tpu.memory_space<hbm>>) dst(%dma_wait3A_144 : memref<2048xf32, #tpu.memory_space<vmem>>)
      %add3A_147 = arith.constant 1 : i32
      %add3A_148 = arith.addi %while3A_113, %add3A_147 : i32
      %lt3A_149 = arith.cmpi slt, %add3A_148, %select_n3A_43 : i32
      %convert_element_type3A_150 = arith.extui %lt3A_149 : i1 to i32
      %cond3A_151 = arith.constant 0 : i32
      %cond3A_152 = arith.cmpi ne, %convert_element_type3A_150, %cond3A_151 : i32
      scf.if %cond3A_152 {
        %add3A_168 = arith.addi %add3A_47, %while3A_113 : i32
        %add3A_169 = arith.constant 1 : i32
        %add3A_170 = arith.addi %add3A_168, %add3A_169 : i32
        %sub3A = arith.constant 2048 : i32
        %sub3A_171 = arith.subi %sub3A, %mul3A_117 : i32
        %mul3A_172 = arith.constant 2048 : i32
        %mul3A_173 = arith.muli %add3A_170, %mul3A_172 : i32
        %dma_start3A_174 = arith.constant 0 : i32
        %dma_start3A_175 = tpu.memref_slice %arg8[%sub3A_171] : memref<4096xi32, #tpu.memory_space<vmem>> -> memref<2048xi32, #tpu.memory_space<vmem>>
        %dma_start3A_176 = tpu.memref_slice %arg2[%dma_start3A_174, %mul3A_173] : memref<2x6400000xi32, #tpu.memory_space<hbm>> -> memref<1x2048xi32, #tpu.memory_space<hbm>>
        %dma_start3A_177 = tpu.memref_squeeze %dma_start3A_176 : memref<1x2048xi32, #tpu.memory_space<hbm>> -> memref<2048xi32, #tpu.memory_space<hbm>>
        %dma_start3A_178 = tpu.memref_slice %arg8[%sub3A_171] : memref<4096xi32, #tpu.memory_space<vmem>> -> memref<2048xi32, #tpu.memory_space<vmem>>
        %dma_start3A_179 = tpu.memref_slice %arg2[%dma_start3A_174, %mul3A_173] : memref<2x6400000xi32, #tpu.memory_space<hbm>> -> memref<1x2048xi32, #tpu.memory_space<hbm>>
        %dma_start3A_180 = tpu.memref_squeeze %dma_start3A_179 : memref<1x2048xi32, #tpu.memory_space<hbm>> -> memref<2048xi32, #tpu.memory_space<hbm>>
        tpu.enqueue_dma source(%dma_start3A_180 : memref<2048xi32, #tpu.memory_space<hbm>>) target(%dma_start3A_178 : memref<2048xi32, #tpu.memory_space<vmem>>) target_semaphore(%arg21 : memref<!tpu.dma_semaphore, #tpu.memory_space<semaphore_mem>>)
        %mul3A_181 = arith.constant 2048 : i32
        %mul3A_182 = arith.muli %add3A_170, %mul3A_181 : i32
        %dma_start3A_183 = arith.constant 1 : i32
        %dma_start3A_184 = tpu.memref_slice %arg9[%sub3A_171] : memref<4096xi32, #tpu.memory_space<vmem>> -> memref<2048xi32, #tpu.memory_space<vmem>>
        %dma_start3A_185 = tpu.memref_slice %arg2[%dma_start3A_183, %mul3A_182] : memref<2x6400000xi32, #tpu.memory_space<hbm>> -> memref<1x2048xi32, #tpu.memory_space<hbm>>
        %dma_start3A_186 = tpu.memref_squeeze %dma_start3A_185 : memref<1x2048xi32, #tpu.memory_space<hbm>> -> memref<2048xi32, #tpu.memory_space<hbm>>
        %dma_start3A_187 = tpu.memref_slice %arg9[%sub3A_171] : memref<4096xi32, #tpu.memory_space<vmem>> -> memref<2048xi32, #tpu.memory_space<vmem>>
        %dma_start3A_188 = tpu.memref_slice %arg2[%dma_start3A_183, %mul3A_182] : memref<2x6400000xi32, #tpu.memory_space<hbm>> -> memref<1x2048xi32, #tpu.memory_space<hbm>>
        %dma_start3A_189 = tpu.memref_squeeze %dma_start3A_188 : memref<1x2048xi32, #tpu.memory_space<hbm>> -> memref<2048xi32, #tpu.memory_space<hbm>>
        tpu.enqueue_dma source(%dma_start3A_189 : memref<2048xi32, #tpu.memory_space<hbm>>) target(%dma_start3A_187 : memref<2048xi32, #tpu.memory_space<vmem>>) target_semaphore(%arg21 : memref<!tpu.dma_semaphore, #tpu.memory_space<semaphore_mem>>)
        %mul3A_190 = arith.constant 2048 : i32
        %mul3A_191 = arith.muli %add3A_170, %mul3A_190 : i32
        %dma_start3A_192 = tpu.memref_slice %arg10[%sub3A_171] : memref<4096xf32, #tpu.memory_space<vmem>> -> memref<2048xf32, #tpu.memory_space<vmem>>
        %dma_start3A_193 = tpu.memref_slice %arg3[%mul3A_191] : memref<6400000xf32, #tpu.memory_space<hbm>> -> memref<2048xf32, #tpu.memory_space<hbm>>
        %dma_start3A_194 = tpu.memref_slice %arg10[%sub3A_171] : memref<4096xf32, #tpu.memory_space<vmem>> -> memref<2048xf32, #tpu.memory_space<vmem>>
        %dma_start3A_195 = tpu.memref_slice %arg3[%mul3A_191] : memref<6400000xf32, #tpu.memory_space<hbm>> -> memref<2048xf32, #tpu.memory_space<hbm>>
        tpu.enqueue_dma source(%dma_start3A_195 : memref<2048xf32, #tpu.memory_space<hbm>>) target(%dma_start3A_194 : memref<2048xf32, #tpu.memory_space<vmem>>) target_semaphore(%arg21 : memref<!tpu.dma_semaphore, #tpu.memory_space<semaphore_mem>>)
        %mul3A_196 = arith.constant 2048 : i32
        %mul3A_197 = arith.muli %add3A_170, %mul3A_196 : i32
        %dma_start3A_198 = tpu.memref_slice %arg11[%sub3A_171] : memref<4096xf32, #tpu.memory_space<vmem>> -> memref<2048xf32, #tpu.memory_space<vmem>>
        %dma_start3A_199 = tpu.memref_slice %arg4[%mul3A_197] : memref<6400000xf32, #tpu.memory_space<hbm>> -> memref<2048xf32, #tpu.memory_space<hbm>>
        %dma_start3A_200 = tpu.memref_slice %arg11[%sub3A_171] : memref<4096xf32, #tpu.memory_space<vmem>> -> memref<2048xf32, #tpu.memory_space<vmem>>
        %dma_start3A_201 = tpu.memref_slice %arg4[%mul3A_197] : memref<6400000xf32, #tpu.memory_space<hbm>> -> memref<2048xf32, #tpu.memory_space<hbm>>
        tpu.enqueue_dma source(%dma_start3A_201 : memref<2048xf32, #tpu.memory_space<hbm>>) target(%dma_start3A_200 : memref<2048xf32, #tpu.memory_space<vmem>>) target_semaphore(%arg21 : memref<!tpu.dma_semaphore, #tpu.memory_space<semaphore_mem>>)
      } else {
      }
      "tpu.region"() ({
        %run_scoped3A = tpu.sem_alloc : memref<!tpu.dma_semaphore, #tpu.memory_space<semaphore_mem>>
        %dma_start3A_168 = tpu.memref_slice %arg8[%mul3A_117] : memref<4096xi32, #tpu.memory_space<vmem>> -> memref<2048xi32, #tpu.memory_space<vmem>>
        %dma_start3A_169 = arith.constant 0 : i32
        %dma_start3A_170 = tpu.memref_slice %arg20[%dma_start3A_169] : memref<100480xf32, #tpu.memory_space<vmem_shared>> -> memref<100480xf32, #tpu.memory_space<vmem_shared>>
        tpu.enqueue_indirect_dma source(%dma_start3A_170 : memref<100480xf32, #tpu.memory_space<vmem_shared>>) target(%arg12 : memref<2048xf32, #tpu.memory_space<vmem>>) offsets(%dma_start3A_168 : memref<2048xi32, #tpu.memory_space<vmem>>) semaphore(%run_scoped3A : memref<!tpu.dma_semaphore, #tpu.memory_space<semaphore_mem>>)
        %dma_wait3A_171 = tpu.memref_slice %arg8[%mul3A_117] : memref<4096xi32, #tpu.memory_space<vmem>> -> memref<2048xi32, #tpu.memory_space<vmem>>
        %dma_wait3A_172 = arith.constant 0 : i32
        %dma_wait3A_173 = tpu.memref_slice %arg20[%dma_wait3A_172] : memref<100480xf32, #tpu.memory_space<vmem_shared>> -> memref<100480xf32, #tpu.memory_space<vmem_shared>>
        tpu.wait_indirect_dma semaphore(%run_scoped3A : memref<!tpu.dma_semaphore, #tpu.memory_space<semaphore_mem>>) src(%dma_wait3A_173 : memref<100480xf32, #tpu.memory_space<vmem_shared>>) dst(%arg12 : memref<2048xf32, #tpu.memory_space<vmem>>)
        tpu.yield
      }) : () -> ()
      "tpu.region"() ({
        %run_scoped3A = tpu.sem_alloc : memref<!tpu.dma_semaphore, #tpu.memory_space<semaphore_mem>>
        %dma_start3A_168 = tpu.memref_slice %arg8[%mul3A_117] : memref<4096xi32, #tpu.memory_space<vmem>> -> memref<2048xi32, #tpu.memory_space<vmem>>
        %dma_start3A_169 = arith.constant 0 : i32
        %dma_start3A_170 = tpu.memref_slice %arg19[%dma_start3A_169] : memref<100480xf32, #tpu.memory_space<vmem_shared>> -> memref<100480xf32, #tpu.memory_space<vmem_shared>>
        tpu.enqueue_indirect_dma source(%dma_start3A_170 : memref<100480xf32, #tpu.memory_space<vmem_shared>>) target(%arg13 : memref<2048xf32, #tpu.memory_space<vmem>>) offsets(%dma_start3A_168 : memref<2048xi32, #tpu.memory_space<vmem>>) semaphore(%run_scoped3A : memref<!tpu.dma_semaphore, #tpu.memory_space<semaphore_mem>>)
        %dma_wait3A_171 = tpu.memref_slice %arg8[%mul3A_117] : memref<4096xi32, #tpu.memory_space<vmem>> -> memref<2048xi32, #tpu.memory_space<vmem>>
        %dma_wait3A_172 = arith.constant 0 : i32
        %dma_wait3A_173 = tpu.memref_slice %arg19[%dma_wait3A_172] : memref<100480xf32, #tpu.memory_space<vmem_shared>> -> memref<100480xf32, #tpu.memory_space<vmem_shared>>
        tpu.wait_indirect_dma semaphore(%run_scoped3A : memref<!tpu.dma_semaphore, #tpu.memory_space<semaphore_mem>>) src(%dma_wait3A_173 : memref<100480xf32, #tpu.memory_space<vmem_shared>>) dst(%arg13 : memref<2048xf32, #tpu.memory_space<vmem>>)
        tpu.yield
      }) : () -> ()
      "tpu.region"() ({
        %run_scoped3A = tpu.sem_alloc : memref<!tpu.dma_semaphore, #tpu.memory_space<semaphore_mem>>
        %dma_start3A_168 = tpu.memref_slice %arg9[%mul3A_117] : memref<4096xi32, #tpu.memory_space<vmem>> -> memref<2048xi32, #tpu.memory_space<vmem>>
        %dma_start3A_169 = arith.constant 0 : i32
        %dma_start3A_170 = tpu.memref_slice %arg19[%dma_start3A_169] : memref<100480xf32, #tpu.memory_space<vmem_shared>> -> memref<100480xf32, #tpu.memory_space<vmem_shared>>
        tpu.enqueue_indirect_dma source(%dma_start3A_170 : memref<100480xf32, #tpu.memory_space<vmem_shared>>) target(%arg14 : memref<2048xf32, #tpu.memory_space<vmem>>) offsets(%dma_start3A_168 : memref<2048xi32, #tpu.memory_space<vmem>>) semaphore(%run_scoped3A : memref<!tpu.dma_semaphore, #tpu.memory_space<semaphore_mem>>)
        %dma_wait3A_171 = tpu.memref_slice %arg9[%mul3A_117] : memref<4096xi32, #tpu.memory_space<vmem>> -> memref<2048xi32, #tpu.memory_space<vmem>>
        %dma_wait3A_172 = arith.constant 0 : i32
        %dma_wait3A_173 = tpu.memref_slice %arg19[%dma_wait3A_172] : memref<100480xf32, #tpu.memory_space<vmem_shared>> -> memref<100480xf32, #tpu.memory_space<vmem_shared>>
        tpu.wait_indirect_dma semaphore(%run_scoped3A : memref<!tpu.dma_semaphore, #tpu.memory_space<semaphore_mem>>) src(%dma_wait3A_173 : memref<100480xf32, #tpu.memory_space<vmem_shared>>) dst(%arg14 : memref<2048xf32, #tpu.memory_space<vmem>>)
        tpu.yield
      }) : () -> ()
      %scan3A_153 = arith.constant 0 : i32
      %scan3A_154 = arith.constant 0 : i32
      %scan3A_155 = arith.constant 128 : i32
      %scan3A_156 = arith.addi %scan3A_154, %scan3A_155 : i32
      %scan3A_157 = arith.constant 1 : i32
      %scan3A_158 = scf.for %scan3A_168 = %scan3A_154 to %scan3A_156 step %scan3A_157 iter_args(%scan3A_169 = %scan3A_153) -> (i32)  : i32 {
        %mul3A_170 = arith.constant 16 : i32
        %mul3A_171 = arith.muli %scan3A_168, %mul3A_170 : i32
        %add3A_172 = arith.addi %mul3A_117, %mul3A_171 : i32
        %get3A = arith.index_cast %add3A_172 : i32 to index
        %get3A_173 = tpu.vector_load %arg9[%get3A] {strides = array<i32>} : memref<4096xi32, #tpu.memory_space<vmem>>, vector<16xi32>,
        %get3A_174 = vector.shape_cast %get3A_173 : vector<16xi32> to vector<16xi32>
        %get3A_175 = arith.index_cast %mul3A_171 : i32 to index
        %get3A_176 = tpu.vector_load %arg12[%get3A_175] {strides = array<i32>} : memref<2048xf32, #tpu.memory_space<vmem>>, vector<16xf32>,
        %get3A_177 = vector.shape_cast %get3A_176 : vector<16xf32> to vector<16xf32>
        %get3A_178 = arith.index_cast %mul3A_171 : i32 to index
        %get3A_179 = tpu.vector_load %arg14[%get3A_178] {strides = array<i32>} : memref<2048xf32, #tpu.memory_space<vmem>>, vector<16xf32>,
        %get3A_180 = vector.shape_cast %get3A_179 : vector<16xf32> to vector<16xf32>
        %get3A_181 = arith.index_cast %mul3A_171 : i32 to index
        %get3A_182 = tpu.vector_load %arg13[%get3A_181] {strides = array<i32>} : memref<2048xf32, #tpu.memory_space<vmem>>, vector<16xf32>,
        %get3A_183 = vector.shape_cast %get3A_182 : vector<16xf32> to vector<16xf32>
        %sub3A = arith.subf %get3A_180, %get3A_183 : vector<16xf32>
        %add3A_184 = arith.addi %mul3A_117, %mul3A_171 : i32
        %get3A_185 = arith.index_cast %add3A_184 : i32 to index
        %get3A_186 = tpu.vector_load %arg10[%get3A_185] {strides = array<i32>} : memref<4096xf32, #tpu.memory_space<vmem>>, vector<16xf32>,
        %get3A_187 = vector.shape_cast %get3A_186 : vector<16xf32> to vector<16xf32>
        %lt3A_188 = arith.constant 0.000000e+00 : f32
        %lt3A_189 = vector.broadcast %lt3A_188 : f32 to vector<16xf32>
        %lt3A_190 = arith.cmpf olt, %get3A_187, %lt3A_189 : vector<16xf32>
        %ne3A = arith.constant 0.000000e+00 : f32
        %ne3A_191 = vector.broadcast %ne3A : f32 to vector<16xf32>
        %ne3A_192 = arith.cmpf one, %get3A_187, %ne3A_191 : vector<16xf32>
        %jit3A_193 = arith.constant 100480 : i32
        %jit3A_194 = arith.constant 0 : i32
        %broadcast_in_dim3A_195 = vector.broadcast %jit3A_193 : i32 to vector<16xi32>
        %broadcast_in_dim3A_196 = vector.broadcast %jit3A_194 : i32 to vector<16xi32>
        %select_n3A_197 = arith.select %lt3A_190, %broadcast_in_dim3A_195, %broadcast_in_dim3A_196 : vector<16xi1>, vector<16xi32>
        %add3A_198 = arith.addi %get3A_174, %select_n3A_197 : vector<16xi32>
        %jit3A_199 = arith.constant 100224 : i32
        %broadcast_in_dim3A_200 = vector.broadcast %jit3A_199 : i32 to vector<16xi32>
        %select_n3A_201 = arith.select %ne3A_192, %add3A_198, %broadcast_in_dim3A_200 : vector<16xi1>, vector<16xi32>
        %add3A_202 = arith.constant 0 : i32
        %add3A_203 = vector.broadcast %add3A_202 : i32 to vector<16xi32>
        %add3A_204 = arith.addi %select_n3A_201, %add3A_203 : vector<16xi32>
        %swap3A = arith.index_cast %mul3A_171 : i32 to index
        %swap3A_205 = tpu.vector_load %arg15[%swap3A] {strides = array<i32>} : memref<6144xi32, #tpu.memory_space<vmem>>, vector<16xi32>,
        %swap3A_206 = vector.shape_cast %swap3A_205 : vector<16xi32> to vector<16xi32>
        %swap3A_207 = vector.shape_cast %add3A_204 : vector<16xi32> to vector<16xi32>
        tpu.vector_store %arg15[%swap3A], %swap3A_207 {strides = array<i32>} : memref<6144xi32, #tpu.memory_space<vmem>>, vector<16xi32>,
        %add3A_208 = arith.constant 200960 : i32
        %add3A_209 = vector.broadcast %add3A_208 : i32 to vector<16xi32>
        %add3A_210 = arith.addi %select_n3A_201, %add3A_209 : vector<16xi32>
        %add3A_211 = arith.constant 2048 : i32
        %add3A_212 = arith.addi %add3A_211, %mul3A_171 : i32
        %swap3A_213 = arith.index_cast %add3A_212 : i32 to index
        %swap3A_214 = tpu.vector_load %arg15[%swap3A_213] {strides = array<i32>} : memref<6144xi32, #tpu.memory_space<vmem>>, vector<16xi32>,
        %swap3A_215 = vector.shape_cast %swap3A_214 : vector<16xi32> to vector<16xi32>
        %swap3A_216 = vector.shape_cast %add3A_210 : vector<16xi32> to vector<16xi32>
        tpu.vector_store %arg15[%swap3A_213], %swap3A_216 {strides = array<i32>} : memref<6144xi32, #tpu.memory_space<vmem>>, vector<16xi32>,
        %add3A_217 = arith.constant 401920 : i32
        %add3A_218 = vector.broadcast %add3A_217 : i32 to vector<16xi32>
        %add3A_219 = arith.addi %select_n3A_201, %add3A_218 : vector<16xi32>
        %add3A_220 = arith.constant 4096 : i32
        %add3A_221 = arith.addi %add3A_220, %mul3A_171 : i32
        %swap3A_222 = arith.index_cast %add3A_221 : i32 to index
        %swap3A_223 = tpu.vector_load %arg15[%swap3A_222] {strides = array<i32>} : memref<6144xi32, #tpu.memory_space<vmem>>, vector<16xi32>,
        %swap3A_224 = vector.shape_cast %swap3A_223 : vector<16xi32> to vector<16xi32>
        %swap3A_225 = vector.shape_cast %add3A_219 : vector<16xi32> to vector<16xi32>
        tpu.vector_store %arg15[%swap3A_222], %swap3A_225 {strides = array<i32>} : memref<6144xi32, #tpu.memory_space<vmem>>, vector<16xi32>,
        %swap3A_226 = arith.index_cast %mul3A_171 : i32 to index
        %swap3A_227 = tpu.vector_load %arg16[%swap3A_226] {strides = array<i32>} : memref<6144xf32, #tpu.memory_space<vmem>>, vector<16xf32>,
        %swap3A_228 = vector.shape_cast %swap3A_227 : vector<16xf32> to vector<16xf32>
        %swap3A_229 = vector.shape_cast %get3A_177 : vector<16xf32> to vector<16xf32>
        tpu.vector_store %arg16[%swap3A_226], %swap3A_229 {strides = array<i32>} : memref<6144xf32, #tpu.memory_space<vmem>>, vector<16xf32>,
        %div3A = arith.divf %sub3A, %get3A_187 : vector<16xf32>
        %add3A_230 = arith.constant 2048 : i32
        %add3A_231 = arith.addi %add3A_230, %mul3A_171 : i32
        %swap3A_232 = arith.index_cast %add3A_231 : i32 to index
        %swap3A_233 = tpu.vector_load %arg16[%swap3A_232] {strides = array<i32>} : memref<6144xf32, #tpu.memory_space<vmem>>, vector<16xf32>,
        %swap3A_234 = vector.shape_cast %swap3A_233 : vector<16xf32> to vector<16xf32>
        %swap3A_235 = vector.shape_cast %div3A : vector<16xf32> to vector<16xf32>
        tpu.vector_store %arg16[%swap3A_232], %swap3A_235 {strides = array<i32>} : memref<6144xf32, #tpu.memory_space<vmem>>, vector<16xf32>,
        %scan3A_236 = arith.constant 0 : i32
        scf.yield %scan3A_236 : i32
      }
      %scan3A_159 = arith.constant 128 : i32
      "tpu.region"() ({
        %run_scoped3A = tpu.sem_alloc : memref<!tpu.dma_semaphore, #tpu.memory_space<semaphore_mem>>
        %dma_start3A_168 = arith.constant 0 : i32
        %dma_start3A_169 = tpu.memref_slice %arg18[%dma_start3A_168] : memref<1205760xf32, #tpu.memory_space<vmem_shared>> -> memref<1205760xf32, #tpu.memory_space<vmem_shared>>
        tpu.enqueue_indirect_dma source(%arg16 : memref<6144xf32, #tpu.memory_space<vmem>>) target(%dma_start3A_169 : memref<1205760xf32, #tpu.memory_space<vmem_shared>>) offsets(%arg15 : memref<6144xi32, #tpu.memory_space<vmem>>) semaphore(%run_scoped3A : memref<!tpu.dma_semaphore, #tpu.memory_space<semaphore_mem>>) {add = true}
        %dma_wait3A_170 = arith.constant 0 : i32
        %dma_wait3A_171 = tpu.memref_slice %arg18[%dma_wait3A_170] : memref<1205760xf32, #tpu.memory_space<vmem_shared>> -> memref<1205760xf32, #tpu.memory_space<vmem_shared>>
        tpu.wait_indirect_dma semaphore(%run_scoped3A : memref<!tpu.dma_semaphore, #tpu.memory_space<semaphore_mem>>) src(%arg16 : memref<6144xf32, #tpu.memory_space<vmem>>) dst(%dma_wait3A_171 : memref<1205760xf32, #tpu.memory_space<vmem_shared>>)
        tpu.yield
      }) : () -> ()
      %scan3A_160 = arith.constant 0 : i32
      %scan3A_161 = arith.constant 0 : i32
      %scan3A_162 = arith.constant 128 : i32
      %scan3A_163 = arith.addi %scan3A_161, %scan3A_162 : i32
      %scan3A_164 = arith.constant 1 : i32
      %scan3A_165 = scf.for %scan3A_168 = %scan3A_161 to %scan3A_163 step %scan3A_164 iter_args(%scan3A_169 = %scan3A_160) -> (i32)  : i32 {
        %mul3A_170 = arith.constant 16 : i32
        %mul3A_171 = arith.muli %scan3A_168, %mul3A_170 : i32
        %add3A_172 = arith.addi %mul3A_117, %mul3A_171 : i32
        %get3A = arith.index_cast %add3A_172 : i32 to index
        %get3A_173 = tpu.vector_load %arg9[%get3A] {strides = array<i32>} : memref<4096xi32, #tpu.memory_space<vmem>>, vector<16xi32>,
        %get3A_174 = vector.shape_cast %get3A_173 : vector<16xi32> to vector<16xi32>
        %get3A_175 = arith.index_cast %mul3A_171 : i32 to index
        %get3A_176 = tpu.vector_load %arg12[%get3A_175] {strides = array<i32>} : memref<2048xf32, #tpu.memory_space<vmem>>, vector<16xf32>,
        %get3A_177 = vector.shape_cast %get3A_176 : vector<16xf32> to vector<16xf32>
        %get3A_178 = arith.index_cast %mul3A_171 : i32 to index
        %get3A_179 = tpu.vector_load %arg14[%get3A_178] {strides = array<i32>} : memref<2048xf32, #tpu.memory_space<vmem>>, vector<16xf32>,
        %get3A_180 = vector.shape_cast %get3A_179 : vector<16xf32> to vector<16xf32>
        %get3A_181 = arith.index_cast %mul3A_171 : i32 to index
        %get3A_182 = tpu.vector_load %arg13[%get3A_181] {strides = array<i32>} : memref<2048xf32, #tpu.memory_space<vmem>>, vector<16xf32>,
        %get3A_183 = vector.shape_cast %get3A_182 : vector<16xf32> to vector<16xf32>
        %sub3A = arith.subf %get3A_180, %get3A_183 : vector<16xf32>
        %add3A_184 = arith.addi %mul3A_117, %mul3A_171 : i32
        %get3A_185 = arith.index_cast %add3A_184 : i32 to index
        %get3A_186 = tpu.vector_load %arg11[%get3A_185] {strides = array<i32>} : memref<4096xf32, #tpu.memory_space<vmem>>, vector<16xf32>,
        %get3A_187 = vector.shape_cast %get3A_186 : vector<16xf32> to vector<16xf32>
        %lt3A_188 = arith.constant 0.000000e+00 : f32
        %lt3A_189 = vector.broadcast %lt3A_188 : f32 to vector<16xf32>
        %lt3A_190 = arith.cmpf olt, %get3A_187, %lt3A_189 : vector<16xf32>
        %ne3A = arith.constant 0.000000e+00 : f32
        %ne3A_191 = vector.broadcast %ne3A : f32 to vector<16xf32>
        %ne3A_192 = arith.cmpf one, %get3A_187, %ne3A_191 : vector<16xf32>
        %jit3A_193 = arith.constant 100480 : i32
        %jit3A_194 = arith.constant 0 : i32
        %broadcast_in_dim3A_195 = vector.broadcast %jit3A_193 : i32 to vector<16xi32>
        %broadcast_in_dim3A_196 = vector.broadcast %jit3A_194 : i32 to vector<16xi32>
        %select_n3A_197 = arith.select %lt3A_190, %broadcast_in_dim3A_195, %broadcast_in_dim3A_196 : vector<16xi1>, vector<16xi32>
        %add3A_198 = arith.addi %get3A_174, %select_n3A_197 : vector<16xi32>
        %jit3A_199 = arith.constant 100224 : i32
        %broadcast_in_dim3A_200 = vector.broadcast %jit3A_199 : i32 to vector<16xi32>
        %select_n3A_201 = arith.select %ne3A_192, %add3A_198, %broadcast_in_dim3A_200 : vector<16xi1>, vector<16xi32>
        %add3A_202 = arith.constant 602880 : i32
        %add3A_203 = vector.broadcast %add3A_202 : i32 to vector<16xi32>
        %add3A_204 = arith.addi %select_n3A_201, %add3A_203 : vector<16xi32>
        %swap3A = arith.index_cast %mul3A_171 : i32 to index
        %swap3A_205 = tpu.vector_load %arg15[%swap3A] {strides = array<i32>} : memref<6144xi32, #tpu.memory_space<vmem>>, vector<16xi32>,
        %swap3A_206 = vector.shape_cast %swap3A_205 : vector<16xi32> to vector<16xi32>
        %swap3A_207 = vector.shape_cast %add3A_204 : vector<16xi32> to vector<16xi32>
        tpu.vector_store %arg15[%swap3A], %swap3A_207 {strides = array<i32>} : memref<6144xi32, #tpu.memory_space<vmem>>, vector<16xi32>,
        %add3A_208 = arith.constant 803840 : i32
        %add3A_209 = vector.broadcast %add3A_208 : i32 to vector<16xi32>
        %add3A_210 = arith.addi %select_n3A_201, %add3A_209 : vector<16xi32>
        %add3A_211 = arith.constant 2048 : i32
        %add3A_212 = arith.addi %add3A_211, %mul3A_171 : i32
        %swap3A_213 = arith.index_cast %add3A_212 : i32 to index
        %swap3A_214 = tpu.vector_load %arg15[%swap3A_213] {strides = array<i32>} : memref<6144xi32, #tpu.memory_space<vmem>>, vector<16xi32>,
        %swap3A_215 = vector.shape_cast %swap3A_214 : vector<16xi32> to vector<16xi32>
        %swap3A_216 = vector.shape_cast %add3A_210 : vector<16xi32> to vector<16xi32>
        tpu.vector_store %arg15[%swap3A_213], %swap3A_216 {strides = array<i32>} : memref<6144xi32, #tpu.memory_space<vmem>>, vector<16xi32>,
        %add3A_217 = arith.constant 1004800 : i32
        %add3A_218 = vector.broadcast %add3A_217 : i32 to vector<16xi32>
        %add3A_219 = arith.addi %select_n3A_201, %add3A_218 : vector<16xi32>
        %add3A_220 = arith.constant 4096 : i32
        %add3A_221 = arith.addi %add3A_220, %mul3A_171 : i32
        %swap3A_222 = arith.index_cast %add3A_221 : i32 to index
        %swap3A_223 = tpu.vector_load %arg15[%swap3A_222] {strides = array<i32>} : memref<6144xi32, #tpu.memory_space<vmem>>, vector<16xi32>,
        %swap3A_224 = vector.shape_cast %swap3A_223 : vector<16xi32> to vector<16xi32>
        %swap3A_225 = vector.shape_cast %add3A_219 : vector<16xi32> to vector<16xi32>
        tpu.vector_store %arg15[%swap3A_222], %swap3A_225 {strides = array<i32>} : memref<6144xi32, #tpu.memory_space<vmem>>, vector<16xi32>,
        %swap3A_226 = arith.index_cast %mul3A_171 : i32 to index
        %swap3A_227 = tpu.vector_load %arg16[%swap3A_226] {strides = array<i32>} : memref<6144xf32, #tpu.memory_space<vmem>>, vector<16xf32>,
        %swap3A_228 = vector.shape_cast %swap3A_227 : vector<16xf32> to vector<16xf32>
        %swap3A_229 = vector.shape_cast %get3A_177 : vector<16xf32> to vector<16xf32>
        tpu.vector_store %arg16[%swap3A_226], %swap3A_229 {strides = array<i32>} : memref<6144xf32, #tpu.memory_space<vmem>>, vector<16xf32>,
        %div3A = arith.divf %sub3A, %get3A_187 : vector<16xf32>
        %add3A_230 = arith.constant 2048 : i32
        %add3A_231 = arith.addi %add3A_230, %mul3A_171 : i32
        %swap3A_232 = arith.index_cast %add3A_231 : i32 to index
        %swap3A_233 = tpu.vector_load %arg16[%swap3A_232] {strides = array<i32>} : memref<6144xf32, #tpu.memory_space<vmem>>, vector<16xf32>,
        %swap3A_234 = vector.shape_cast %swap3A_233 : vector<16xf32> to vector<16xf32>
        %swap3A_235 = vector.shape_cast %div3A : vector<16xf32> to vector<16xf32>
        tpu.vector_store %arg16[%swap3A_232], %swap3A_235 {strides = array<i32>} : memref<6144xf32, #tpu.memory_space<vmem>>, vector<16xf32>,
        %scan3A_236 = arith.constant 0 : i32
        scf.yield %scan3A_236 : i32
      }
      %scan3A_166 = arith.constant 128 : i32
      "tpu.region"() ({
        %run_scoped3A = tpu.sem_alloc : memref<!tpu.dma_semaphore, #tpu.memory_space<semaphore_mem>>
        %dma_start3A_168 = arith.constant 0 : i32
        %dma_start3A_169 = tpu.memref_slice %arg18[%dma_start3A_168] : memref<1205760xf32, #tpu.memory_space<vmem_shared>> -> memref<1205760xf32, #tpu.memory_space<vmem_shared>>
        tpu.enqueue_indirect_dma source(%arg16 : memref<6144xf32, #tpu.memory_space<vmem>>) target(%dma_start3A_169 : memref<1205760xf32, #tpu.memory_space<vmem_shared>>) offsets(%arg15 : memref<6144xi32, #tpu.memory_space<vmem>>) semaphore(%run_scoped3A : memref<!tpu.dma_semaphore, #tpu.memory_space<semaphore_mem>>) {add = true}
        %dma_wait3A_170 = arith.constant 0 : i32
        %dma_wait3A_171 = tpu.memref_slice %arg18[%dma_wait3A_170] : memref<1205760xf32, #tpu.memory_space<vmem_shared>> -> memref<1205760xf32, #tpu.memory_space<vmem_shared>>
        tpu.wait_indirect_dma semaphore(%run_scoped3A : memref<!tpu.dma_semaphore, #tpu.memory_space<semaphore_mem>>) src(%arg16 : memref<6144xf32, #tpu.memory_space<vmem>>) dst(%dma_wait3A_171 : memref<1205760xf32, #tpu.memory_space<vmem_shared>>)
        tpu.yield
      }) : () -> ()
      %while3A_167 = arith.constant 0 : i32
      scf.yield %while3A_167 : i32
    }
    %barrier3A_97 = arith.constant 0 : index
    tpu.barrier barrier_id(%barrier3A_97)
    %mul3A_98 = arith.constant 1205760 : i32
    %mul3A_99 = arith.muli %arg0, %mul3A_98 : i32
    %mul3A_100 = arith.constant 76800 : i32
    %mul3A_101 = arith.muli %arg1, %mul3A_100 : i32
    %add3A_102 = arith.addi %mul3A_99, %mul3A_101 : i32
    %lt3A_103 = arith.constant 15 : i32
    %lt3A_104 = arith.cmpi slt, %arg1, %lt3A_103 : i32
    %convert_element_type3A_105 = arith.extui %lt3A_104 : i1 to i32
    %cond3A_106 = arith.constant 0 : i32
    %cond3A_107 = arith.cmpi ne, %convert_element_type3A_105, %cond3A_106 : i32
    scf.if %cond3A_107 {
      %mul3A_113 = arith.constant 76800 : i32
      %mul3A_114 = arith.muli %arg1, %mul3A_113 : i32
      "tpu.region"() ({
        %run_scoped3A = tpu.sem_alloc : memref<!tpu.dma_semaphore, #tpu.memory_space<semaphore_mem>>
        %dma_start3A_115 = tpu.memref_slice %arg7[%add3A_102] : memref<2411520xf32, #tpu.memory_space<hbm>> -> memref<76800xf32, #tpu.memory_space<hbm>>
        %dma_start3A_116 = tpu.memref_slice %arg18[%mul3A_114] : memref<1205760xf32, #tpu.memory_space<vmem_shared>> -> memref<76800xf32, #tpu.memory_space<vmem_shared>>
        tpu.enqueue_dma source(%dma_start3A_116 : memref<76800xf32, #tpu.memory_space<vmem_shared>>) target(%dma_start3A_115 : memref<76800xf32, #tpu.memory_space<hbm>>) target_semaphore(%run_scoped3A : memref<!tpu.dma_semaphore, #tpu.memory_space<semaphore_mem>>)
        %dma_wait3A = tpu.memref_slice %arg7[%add3A_102] : memref<2411520xf32, #tpu.memory_space<hbm>> -> memref<76800xf32, #tpu.memory_space<hbm>>
        %dma_wait3A_117 = tpu.memref_slice %arg18[%mul3A_114] : memref<1205760xf32, #tpu.memory_space<vmem_shared>> -> memref<76800xf32, #tpu.memory_space<vmem_shared>>
        tpu.wait_dma2 semaphore(%run_scoped3A : memref<!tpu.dma_semaphore, #tpu.memory_space<semaphore_mem>>) src(%dma_wait3A_117 : memref<76800xf32, #tpu.memory_space<vmem_shared>>) dst(%dma_wait3A : memref<76800xf32, #tpu.memory_space<hbm>>)
        tpu.yield
      }) : () -> ()
    } else {
    }
    %eq3A_108 = arith.constant 15 : i32
    %eq3A_109 = arith.cmpi eq, %arg1, %eq3A_108 : i32
    %convert_element_type3A_110 = arith.extui %eq3A_109 : i1 to i32
    %cond3A_111 = arith.constant 0 : i32
    %cond3A_112 = arith.cmpi ne, %convert_element_type3A_110, %cond3A_111 : i32
    scf.if %cond3A_112 {
      %mul3A_113 = arith.constant 1205760 : i32
      %mul3A_114 = arith.muli %arg0, %mul3A_113 : i32
      %add3A_115 = arith.constant 1152000 : i32
      %add3A_116 = arith.addi %mul3A_114, %add3A_115 : i32
      "tpu.region"() ({
        %run_scoped3A = tpu.sem_alloc : memref<!tpu.dma_semaphore, #tpu.memory_space<semaphore_mem>>
        %dma_start3A_117 = tpu.memref_slice %arg7[%add3A_116] : memref<2411520xf32, #tpu.memory_space<hbm>> -> memref<53760xf32, #tpu.memory_space<hbm>>
        %dma_start3A_118 = arith.constant 1152000 : i32
        %dma_start3A_119 = tpu.memref_slice %arg18[%dma_start3A_118] : memref<1205760xf32, #tpu.memory_space<vmem_shared>> -> memref<53760xf32, #tpu.memory_space<vmem_shared>>
        tpu.enqueue_dma source(%dma_start3A_119 : memref<53760xf32, #tpu.memory_space<vmem_shared>>) target(%dma_start3A_117 : memref<53760xf32, #tpu.memory_space<hbm>>) target_semaphore(%run_scoped3A : memref<!tpu.dma_semaphore, #tpu.memory_space<semaphore_mem>>)
        %dma_wait3A = tpu.memref_slice %arg7[%add3A_116] : memref<2411520xf32, #tpu.memory_space<hbm>> -> memref<53760xf32, #tpu.memory_space<hbm>>
        %dma_wait3A_120 = arith.constant 1152000 : i32
        %dma_wait3A_121 = tpu.memref_slice %arg18[%dma_wait3A_120] : memref<1205760xf32, #tpu.memory_space<vmem_shared>> -> memref<53760xf32, #tpu.memory_space<vmem_shared>>
        tpu.wait_dma2 semaphore(%run_scoped3A : memref<!tpu.dma_semaphore, #tpu.memory_space<semaphore_mem>>) src(%dma_wait3A_121 : memref<53760xf32, #tpu.memory_space<vmem_shared>>) dst(%dma_wait3A : memref<53760xf32, #tpu.memory_space<hbm>>)
        tpu.yield
      }) : () -> ()
    } else {
    }
    return
  }
}

module attributes {stable_mosaic.version = 14 : i64} {
  func.func @_combine_body(%arg0: i32, %arg1: memref<24x20096xf32, #tpu.memory_space<vmem>>, %arg2: memref<1x20096xf32, #tpu.memory_space<vmem>>) attributes {dimension_semantics = [#tpu.dimension_semantics<arbitrary>], iteration_bounds = array<i64: 5>, scalar_prefetch = 0 : i64, scratch_operands = 0 : i64, tpu.core_type = #tpu.core_type<tc>, window_params = [{transform_indices = @transform_0, window_bounds = array<i64: 24, 20096>}, {transform_indices = @transform_1, window_bounds = array<i64: 1, 20096>}]} {
    %get3A = arith.constant 0 : index
    %get3A_0 = arith.constant 0 : index
    %get3A_1 = vector.load %arg1[%get3A, %get3A_0] : memref<24x20096xf32, #tpu.memory_space<vmem>>, vector<24x20096xf32>
    %slice3A = vector.extract_strided_slice %get3A_1 {offsets = [0, 0], sizes = [12, 20096], strides = [1, 1]} : vector<24x20096xf32> to vector<12x20096xf32>
    %slice3A_2 = vector.extract_strided_slice %get3A_1 {offsets = [12, 0], sizes = [12, 20096], strides = [1, 1]} : vector<24x20096xf32> to vector<12x20096xf32>
    %add3A = arith.addf %slice3A, %slice3A_2 : vector<12x20096xf32>
    %slice3A_3 = vector.extract_strided_slice %add3A {offsets = [4, 0], sizes = [1, 20096], strides = [1, 1]} : vector<12x20096xf32> to vector<1x20096xf32>
    %max3A = arith.constant 1.000000e+00 : f32
    %max3A_4 = vector.broadcast %max3A : f32 to vector<1x20096xf32>
    %max3A_5 = arith.maximumf %slice3A_3, %max3A_4 : vector<1x20096xf32>
    %slice3A_6 = vector.extract_strided_slice %add3A {offsets = [5, 0], sizes = [1, 20096], strides = [1, 1]} : vector<12x20096xf32> to vector<1x20096xf32>
    %max3A_7 = arith.constant 1.000000e+00 : f32
    %max3A_8 = vector.broadcast %max3A_7 : f32 to vector<1x20096xf32>
    %max3A_9 = arith.maximumf %slice3A_6, %max3A_8 : vector<1x20096xf32>
    %slice3A_10 = vector.extract_strided_slice %add3A {offsets = [10, 0], sizes = [1, 20096], strides = [1, 1]} : vector<12x20096xf32> to vector<1x20096xf32>
    %max3A_11 = arith.constant 1.000000e+00 : f32
    %max3A_12 = vector.broadcast %max3A_11 : f32 to vector<1x20096xf32>
    %max3A_13 = arith.maximumf %slice3A_10, %max3A_12 : vector<1x20096xf32>
    %slice3A_14 = vector.extract_strided_slice %add3A {offsets = [11, 0], sizes = [1, 20096], strides = [1, 1]} : vector<12x20096xf32> to vector<1x20096xf32>
    %max3A_15 = arith.constant 1.000000e+00 : f32
    %max3A_16 = vector.broadcast %max3A_15 : f32 to vector<1x20096xf32>
    %max3A_17 = arith.maximumf %slice3A_14, %max3A_16 : vector<1x20096xf32>
    %slice3A_18 = vector.extract_strided_slice %add3A {offsets = [0, 0], sizes = [1, 20096], strides = [1, 1]} : vector<12x20096xf32> to vector<1x20096xf32>
    %div3A = arith.divf %slice3A_18, %max3A_5 : vector<1x20096xf32>
    %slice3A_19 = vector.extract_strided_slice %add3A {offsets = [1, 0], sizes = [1, 20096], strides = [1, 1]} : vector<12x20096xf32> to vector<1x20096xf32>
    %div3A_20 = arith.divf %slice3A_19, %max3A_9 : vector<1x20096xf32>
    %slice3A_21 = vector.extract_strided_slice %add3A {offsets = [2, 0], sizes = [1, 20096], strides = [1, 1]} : vector<12x20096xf32> to vector<1x20096xf32>
    %div3A_22 = arith.divf %slice3A_21, %max3A_5 : vector<1x20096xf32>
    %slice3A_23 = vector.extract_strided_slice %add3A {offsets = [3, 0], sizes = [1, 20096], strides = [1, 1]} : vector<12x20096xf32> to vector<1x20096xf32>
    %div3A_24 = arith.divf %slice3A_23, %max3A_9 : vector<1x20096xf32>
    %slice3A_25 = vector.extract_strided_slice %add3A {offsets = [6, 0], sizes = [1, 20096], strides = [1, 1]} : vector<12x20096xf32> to vector<1x20096xf32>
    %div3A_26 = arith.divf %slice3A_25, %max3A_13 : vector<1x20096xf32>
    %slice3A_27 = vector.extract_strided_slice %add3A {offsets = [7, 0], sizes = [1, 20096], strides = [1, 1]} : vector<12x20096xf32> to vector<1x20096xf32>
    %div3A_28 = arith.divf %slice3A_27, %max3A_17 : vector<1x20096xf32>
    %slice3A_29 = vector.extract_strided_slice %add3A {offsets = [8, 0], sizes = [1, 20096], strides = [1, 1]} : vector<12x20096xf32> to vector<1x20096xf32>
    %div3A_30 = arith.divf %slice3A_29, %max3A_13 : vector<1x20096xf32>
    %slice3A_31 = vector.extract_strided_slice %add3A {offsets = [9, 0], sizes = [1, 20096], strides = [1, 1]} : vector<12x20096xf32> to vector<1x20096xf32>
    %div3A_32 = arith.divf %slice3A_31, %max3A_17 : vector<1x20096xf32>
    %mul3A = arith.mulf %div3A, %div3A_22 : vector<1x20096xf32>
    %mul3A_33 = arith.mulf %div3A_20, %div3A_24 : vector<1x20096xf32>
    %sub3A = arith.subf %mul3A, %mul3A_33 : vector<1x20096xf32>
    %div3A_34 = arith.constant 1.000000e-01 : f32
    %div3A_35 = vector.broadcast %div3A_34 : f32 to vector<1x20096xf32>
    %div3A_36 = arith.divf %sub3A, %div3A_35 : vector<1x20096xf32>
    %mul3A_37 = arith.mulf %div3A_26, %div3A_30 : vector<1x20096xf32>
    %mul3A_38 = arith.mulf %div3A_28, %div3A_32 : vector<1x20096xf32>
    %sub3A_39 = arith.subf %mul3A_37, %mul3A_38 : vector<1x20096xf32>
    %div3A_40 = arith.constant 1.000000e-01 : f32
    %div3A_41 = vector.broadcast %div3A_40 : f32 to vector<1x20096xf32>
    %div3A_42 = arith.divf %sub3A_39, %div3A_41 : vector<1x20096xf32>
    %add3A_43 = arith.addf %div3A_36, %div3A_42 : vector<1x20096xf32>
    %add3A_44 = arith.constant 1.000000e+00 : f32
    %add3A_45 = vector.broadcast %add3A_44 : f32 to vector<1x20096xf32>
    %add3A_46 = arith.addf %add3A_43, %add3A_45 : vector<1x20096xf32>
    %swap3A = arith.constant 0 : index
    %swap3A_47 = arith.constant 0 : index
    %swap3A_48 = vector.load %arg2[%swap3A, %swap3A_47] : memref<1x20096xf32, #tpu.memory_space<vmem>>, vector<1x20096xf32>
    tpu.vector_store %arg2[%swap3A, %swap3A_47], %add3A_46 {strides = array<i32>} : memref<1x20096xf32, #tpu.memory_space<vmem>>, vector<1x20096xf32>,
    return
  }
  func.func @transform_0(%arg0: i32) -> (i32, i32) {
    %c0_i32 = arith.constant 0 : i32
    %c0_i32_0 = arith.constant 0 : i32
    return %c0_i32, %arg0 : i32, i32
  }
  func.func @transform_1(%arg0: i32) -> (i32, i32) {
    %c0_i32 = arith.constant 0 : i32
    %c0_i32_0 = arith.constant 0 : i32
    return %c0_i32, %arg0 : i32, i32
  }
}

</mosaic_0001>

<sc_bundles>
// kernel: kernel.4.cloned.1.call-start
scs
__scs_entry_jumppad:
0x0: {  	(pc) =	sbr.rel $0x88, $3  }
0x1: {  	(tag) =	ssettag $0x0;
	lr =	simm.s32 $0x1  }
0x2: {  	[smem:$0x3F9D] =	sst lr;
	_ =	strace $0xD0000000  }
0x3: {  	_ = 	snop  }
0x4: {  	_ = 	snop  }
0x5: {  	_ = 	snop  }
0x6: {  	_ = 	snop  }
0x7: {  	_ = 	snop  }
__scs_overlays_trampoline_lowered:
0x8: {  	[smem:$0x3FAC] =	sst s0  }
0x9: {  	[smem:$0x3FAD] =	sst s1  }
0xa: {  	[smem:$0x3FAE] =	sst s2  }
0xb: {  	[smem:$0x3FAF] =	sst s3  }
0xc: {  	[smem:$0x3FB0] =	sst s4  }
0xd: {  	[smem:$0x3FB1] =	sst s5  }
0xe: {  	[smem:$0x3FB2] =	sst s6  }
0xf: {  	[smem:$0x3FB3] =	sst s7  }
0x10: {  	[smem:$0x3FB4] =	sst s8  }
0x11: {  	[smem:$0x3FB5] =	sst s9;
	s0 =	simm.s32 @!p0 $0x0  }
0x12: {  	s1 =	sld [smem:$0x3F9B];
	s0 =	simm.s32 @p0 $0x1  }
0x13: {  	[smem:$0x3FB6] =	sst s0;
	s0 =	simm.s32 @!p1 $0x0  }
0x14: {  	s2 =	sld [smem:$0x3F9A];
	s0 =	simm.s32 @p1 $0x1  }
0x15: {  	[smem:$0x3FB7] =	sst s0;
	s0 =	simm.s32 @!p2 $0x0  }
0x16: {  	s3 =	sld [smem:$0x3FDB];
	s0 =	simm.s32 @p2 $0x1  }
0x17: {  	s4 =	simm.s32 $0x1BF5;
	[smem:$0x3FB9] =	sst s0  }
0x18: {  	s0 =	sld [smem:$0x3F9C];
	_ =	swait.ge [sflag:s4], $0x0  }
0x19: {  	s7 =	sld [smem:$0x3F9D]  }
0x1a: {  	s8 =	sadd.s32 $0xFFFFE003, lr  }
0x1b: {  	s9 =	sadd.s32 $0xFFFFFEF7, lr;
	s5 =	simm.s32 $0xFFFFFFFF;
	p2 =	slt.u32 s8, $0xFFFFF086  }
0x1c: {  	p1 =	slt.u32 s9, $0xF7A;
	s5 =	simm.s32 @!p2 $0x0  }
0x1d: {  	s5 =	simm.s32 @p1 $0x1;
	p0 =	seq.s32 s7, s2  }
0x1e: {  	s7 =	smul.u32 @!p0 $0xF7A, s2;
	p2 =	seq.s32 @!p0 s5, $0x0  }
0x1f: {  	s9 =	smul.u32 $0xF7A, s1;
	s8 =	simm.s32 @!p0 $0x1BF5;
	p2 =	por !p2, p0  }
0x20: {  	[sflag:s8] =	ssyncset.s32 @!p0 $0xFFFFF086;
	s6 =	sadd.s32 @!p0 s3, s7;
	s7 =	simm.s32 @!p0 $0x108  }
0x21: {  	s3 =	sadd.s32 s3, s9;
	s6 =	sadd.s32 @!p0 $0x88, s6;
	s7 =	simm.s32 @p2 $0x1082  }
0x22: {  	[simem:s7], [sflag:s8] =	dma.local @!p0 [hbm:s6], $0xF7A  }
0x23: {  	s9 =	sor.u32 $0xD0000000, s2;
	s6 =	simm.s32 $0x108;
	_ =	swait.ge @!p0 [sflag:s8], $0x0  }
0x24: {  	s3 =	sadd.s32 $0x88, s3;
	s6 =	simm.s32 @!p1 $0x1082;
	[sflag:s4] =	ssyncset.s32 $0xFFFFF086  }
0x25: {  	[simem:s6], [sflag:s4] =	dma.local [hbm:s3], $0xF7A  }
0x26: {  	[smem:$0x3F9D] =	sst s1;
	(tag) =	ssettag s2;
	_ =	strace s9  }
0x27: {  	s1 =	sld [smem:$0x3FAD]  }
0x28: {  	s2 =	sld [smem:$0x3FAE]  }
0x29: {  	s4 =	sld [smem:$0x3FB0]  }
0x2a: {  	p0 =	seq.s32 s5, $0x0;
	s5 =	sld [smem:$0x3FB1]  }
0x2b: {  	s6 =	sld [smem:$0x3FB2]  }
0x2c: {  	s7 =	sld [smem:$0x3FB3]  }
0x2d: {  	s3 =	simm.s32 $0x108;
	s8 =	sld [smem:$0x3FB4]  }
0x2e: {  	s3 =	simm.s32 @!p0 $0x1082;
	s9 =	sld [smem:$0x3FB5]  }
0x2f: {  	lr =	sadd.s32 s0, s3;
	s0 =	sld [smem:$0x3FAC]  }
0x30: {  	s3 =	sld [smem:$0x3FAF]  }
0x31: {  	[smem:$0x3FB8] =	sst s10  }
0x32: {  	s10 =	sld [smem:$0x3FB6];
	_ =	sdelay $0x3  }
0x33: {  	p0 =	seq.s32 s10, $0x1;
	s10 =	sld [smem:$0x3FB8];
	_ =	sdelay $0x3  }
0x34: {  	[smem:$0x3FB8] =	sst s10  }
0x35: {  	s10 =	sld [smem:$0x3FB7];
	_ =	sdelay $0x3  }
0x36: {  	p1 =	seq.s32 s10, $0x1;
	s10 =	sld [smem:$0x3FB8];
	_ =	sdelay $0x3  }
0x37: {  	[smem:$0x3FB8] =	sst s10  }
0x38: {  	s10 =	sld [smem:$0x3FB9]  }
0x39: {  	_ = 	snop;
	(pc) =	sbr.ind lr, $3  }
0x3a: {  	_ = 	snop  }
0x3b: {  	_ = 	snop  }
0x3c: {  	p2 =	seq.s32 s10, $0x1;
	s10 =	sld [smem:$0x3FB8]  }
0x3d: {  	_ =	shalt  }
0x3e: {  	_ =	shalt  }
0x3f: {  	_ =	shalt  }
0x40: {  	_ =	shalt  }
0x41: {  	_ =	shalt  }
0x42: {  	_ =	shalt  }
0x43: {  	_ =	shalt  }
0x44: {  	_ =	shalt  }
0x45: {  	_ =	shalt  }
0x46: {  	_ =	shalt  }
0x47: {  	_ =	shalt  }
0x48: {  	_ =	shalt  }
0x49: {  	_ =	shalt  }
0x4a: {  	_ =	shalt  }
0x4b: {  	_ =	shalt  }
0x4c: {  	_ =	shalt  }
0x4d: {  	_ =	shalt  }
0x4e: {  	_ =	shalt  }
0x4f: {  	_ =	shalt  }
0x50: {  	_ =	shalt  }
0x51: {  	_ =	shalt  }
0x52: {  	_ =	shalt  }
0x53: {  	_ =	shalt  }
0x54: {  	_ =	shalt  }
0x55: {  	_ =	shalt  }
0x56: {  	_ =	shalt  }
0x57: {  	_ =	shalt  }
0x58: {  	_ =	shalt  }
0x59: {  	_ =	shalt  }
0x5a: {  	_ =	shalt  }
0x5b: {  	_ =	shalt  }
0x5c: {  	_ =	shalt  }
0x5d: {  	_ =	shalt  }
0x5e: {  	_ =	shalt  }
0x5f: {  	_ =	shalt  }
0x60: {  	_ =	shalt  }
0x61: {  	_ =	shalt  }
0x62: {  	_ =	shalt  }
0x63: {  	_ =	shalt  }
0x64: {  	_ =	shalt  }
0x65: {  	_ =	shalt  }
0x66: {  	_ =	shalt  }
0x67: {  	_ =	shalt  }
0x68: {  	_ =	shalt  }
0x69: {  	_ =	shalt  }
0x6a: {  	_ =	shalt  }
0x6b: {  	_ =	shalt  }
0x6c: {  	_ =	shalt  }
0x6d: {  	_ =	shalt  }
0x6e: {  	_ =	shalt  }
0x6f: {  	_ =	shalt  }
0x70: {  	_ =	shalt  }
0x71: {  	_ =	shalt  }
0x72: {  	_ =	shalt  }
0x73: {  	_ =	shalt  }
0x74: {  	_ =	shalt  }
0x75: {  	_ =	shalt  }
0x76: {  	_ =	shalt  }
0x77: {  	_ =	shalt  }
0x78: {  	_ =	shalt  }
0x79: {  	_ =	shalt  }
0x7a: {  	_ =	shalt  }
0x7b: {  	_ =	shalt  }
0x7c: {  	_ =	shalt  }
0x7d: {  	_ =	shalt  }
0x7e: {  	_ =	shalt  }
0x7f: {  	_ =	shalt  }
0x80: {  	_ =	shalt  }
0x81: {  	_ =	shalt  }
0x82: {  	_ =	shalt  }
0x83: {  	_ =	shalt  }
0x84: {  	_ =	shalt  }
0x85: {  	_ =	shalt  }
0x86: {  	_ =	shalt  }
0x87: {  	_ =	shalt  }
.Lfunc_end0:
.L_simem_size_0:
called_computation_lowered:
.L_overlay_start_0:
0x88: {  	s2 =	sld [smem:$0x3FD9]  }
0x89: {  	s3 =	sld [smem:$0x3FFE];
	_ =	sdelay $0x1  }
0x8a: {  	s1 =	srdreg.scid  }
0x8b: {  	s0 =	sand.u32 $0x1, s1  }
0x8c: {  	s17 =	sshll.u32 s0, $0xA;
	s2 =	sadd.s32 s3, s2  }
0x8d: {  	s2 =	sadd.s32 s2, s17  }
0x8e: {  	[smem:$0x3FC4] =	sst s2  }
0x8f: {  	_ = 	snop  }
0x90: {  	s2 =	sld [smem:$0x3FC6];
	(tm) =	ssettm $0x1  }
0x91: {  	s18 =	sld [smem:$0x3FFB];
	_ =	sdelay $0x3  }
0x92: {  	_ =	strace s18  }
0x93: {  	s3 =	sld [smem:$0x3FFC];
	_ =	sdelay $0x3  }
0x94: {  	_ =	strace s3  }
0x95: {  	s3 =	sld [smem:$0x3FFD];
	_ =	sdelay $0x3  }
0x96: {  	_ =	strace s3  }
0x97: {  	_ =	strace $0x8FFFFFFF  }
0x98: {  	s19 =	sld [smem:$0x3FDB];
	_ =	sdelay $0x1  }
0x99: {  	s4 =	simm.s32 $_scs_section_size  }
0x9a: {  	s5 =	simm.s32 $_size__tile_overlayer_lowered;
	s6 =	simm.s32 $_tile_overlayer_lowered  }
0x9b: {  	s22 =	simm.s32 $0x1BFF;
	s21 =	sshll.u32 s6, $0x1;
	s3 =	sadd.s32 s4, s19  }
0x9c: {  	s7 =	simm.s32 $0x0;
	s20 =	sshll.u32 s5, $0x1;
	s5 =	sadd.s32 s21, s3  }
0x9d: {  	[timem:s7], [sflag:s22] =	dma.local [hbm:s5], s20  }
0x9e: {  	_ =	swait.ge [sflag:s22], s20  }
0x9f: {  	s4 =	ssub.s32 $0x0, s20;
	[sflag:s22] =	ssyncset.done $0x0  }
0xa0: {  	[sflag:s22] =	ssyncadd.s32 s4;
	_ =	sdelay $0x1  }
0xa1: {  	s23 =	simm.s32 $0x1B8B  }
0xa2: {  	_ =	swait.ge [sflag:s23], $0x1  }
0xa3: {  	[sflag:s23] =	ssyncset.done $0x0  }
0xa4: {  	s25 =	simm.s32 $0x1B8E;
	s24 =	sld [smem:$0x3FFE];
	[sflag:s23] =	ssyncadd.s32 $0xFFFFFFFF  }
0xa5: {  	s26 =	simm.s32 $execute0_lowered;
	[smem:$0x3FD2] =	sst s25  }
0xa6: {  	s5 =	sshll.u32 s26, $0x1;
	_ =	strace $0x80000046;
	[dreg:$0x1] =	wrdreg $0xFFFFFFFF  }
0xa7: {  	s28 =	simm.s32 $_size_execute0_lowered;
	s3 =	sadd.s32 s3, s5;
	[dreg:$0x0] =	wrdreg $0x0  }
0xa8: {  	s5 =	sshll.u32 s28, $0x1;
	[dreg:$0x2] =	wrdreg s3  }
0xa9: {  	[dreg:$0x3] =	wrdreg s5  }
0xaa: {  	[dreg:$0x4] =	wrdreg $0xC0  }
0xab: {  	_ =	task [dreg:s7], $0x5FFFF  }
0xac: {  	[dreg:$0x1] =	wrdreg $0xFFFFFFFF  }
0xad: {  	[dreg:$0x0] =	wrdreg $0x60  }
0xae: {  	[dreg:$0x2] =	wrdreg s2  }
0xaf: {  	[dreg:$0x3] =	wrdreg s24  }
0xb0: {  	[dreg:$0x4] =	wrdreg $0x1B5E00  }
0xb1: {  	[dreg:$0x5] =	wrdreg $0x1CE680  }
0xb2: {  	[dreg:$0x6] =	wrdreg $0x8F800  }
0xb3: {  	[dreg:$0x7] =	wrdreg $0x9  }
0xb4: {  	_ =	task.clear_ibuf [dreg:s7], $0x8FFFF;
	_ =	strace $0x90000046  }
0xb5: {  	s29 =	simm.s32 $0x9;
	_ =	strace $0x80000048  }
0xb6: {  	_ =	swait.ge [sflag:s29], $0x1  }
0xb7: {  	[sflag:s29] =	ssyncadd.s32 $0xFFFFFFFF  }
0xb8: {  	_ =	strace $0x90000048  }
0xb9: {  	_ =	sfence  }
0xba: {  	s30 =	sld [smem:$0x0];
	_ =	sdelay $0x2  }
0xbb: {  	s31 =	sshll.u32 s1, $0xD;
	s1 =	sshrl.u32 s1, $0x2  }
0xbc: {  	s3 =	sand.u32 $0x4000, s31;
	s1 =	sadd.s32 s1, s30  }
0xbd: {  	s0 =	sor.u32 s3, s0;
	s1 =	sshll.u32 s1, $0x11  }
0xbe: {  	s0 =	sor.u32 s1, s0  }
0xbf: {  	s0 =	sadd.s32 $0x8F2B, s0  }
0xc0: {  	[sflag:s0] =	ssyncadd.remote.s32 $0x1  }
0xc1: {  	_ =	sfence.sel $0xFFFF  }
0xc2: {  	[dreg:$0x0] =	wrdreg $0xFFFFFFFF;
	(pc) =	sbr.abs _section_cstart, $3  }
0xc3: {  	[dreg:$0x1] =	wrdreg $0xFFFFFFFF  }
0xc4: {  	_ =	task.clear_ibuf [dreg:s7], $0x2FFFF;
	_ =	strace $0x9FFFFFFF  }
0xc5: {  	(tm) =	ssettm $0x7FFFFFFF  }
tec
execute0_lowered:
.L_overlay_start_1:
0x0: {  	(tag) =	ssettag $0x1  }
0x1: {  	s1 =	rddreg [dreg:$0x0]  }
0x2: {  	s0 =	rddreg [dreg:$0x1]  }
0x3: {  	s2 =	rddreg [dreg:$0x2]  }
0x4: {  	s3 =	rddreg [dreg:$0x3]  }
0x5: {  	s4 =	rddreg [dreg:$0x4]  }
0x6: {  	s5 =	simm.s32 $0x0;
	s6 =	srdreg.scid;
	s16 =	stileid.u32  }
0x7: {  	[smem:$0x7FF] =	sst s5;
	s7 =	sadd.s32 $0xC9A00, s0;
	s6 =	sand.u32 $0x1, s6  }
0x8: {  	s8 =	sadd.s32 $0x6400, s0;
	s12 =	smul.u32 $0x1900, s16;
	s15 =	sadd.s32 $0x18D000, s0  }
0x9: {  	p0 =	seq.s32 s16, $0xF;
	s19 =	smul.u32 $0x4B000, s16;
	s14 =	sadd.s32 $0x2EE0, s0  }
0xa: {  	s22 =	smul.u32 $0x12C00, s16;
	_ =	strace $0x80000047;
	s9 =	ssub.s32 $0x2, s6  }
0xb: {  	s11 =	sshll.u32 s6, $0x4;
	[dreg:$0x7] =	wrdreg s14;
	s6 =	smul.u32 $0x126600, s6  }
0xc: {  	s10 =	sshrl.u32 s9, $0x1;
	s17 =	sor.u32 s16, s11;
	s11 =	sadd.s32 s12, s2  }
0xd: {  	s13 =	sshrl.u32 s12, $0x3;
	s12 =	sadd.s32 s12, s3;
	s20 =	sshrl.u32 s19, $0x2  }
0xe: {  	s16 =	simm.s32 $0x800;
	s19 =	simm.s32 $0x7000;
	s9 =	ssub.s32 s9, s10  }
0xf: {  	s18 =	sadd.s32 s0, s13;
	s0 =	sadd.s32 $0x60E0, s0;
	s21 =	smul.u32 $0x61, s17  }
0x10: {  	p1 =	slt.u32 s17, $0x15;
	s10 =	smin.u32 s17, $0x15;
	s13 =	simm.s32 $0x62  }
0x11: {  	s17 =	sadd.s32 $0x10, s1;
	s25 =	sadd.s32 s22, s6;
	[dreg:$0x8] =	wrdreg s0  }
0x12: {  	s6 =	sshrl.u32 s6, $0x3;
	s9 =	smax.u32 s9, $0x1;
	[dreg:$0x6] =	wrdreg s18  }
0x13: {  	s0 =	simm.s32 $0x1C;
	s31 =	sadd.s32 $0x3200, s18;
	[dreg:$0x11] =	wrdreg s9  }
0x14: {  	s0 =	simm.s32 @!p0 $0x28;
	s14 =	sadd.s32 s10, s21;
	[dreg:$0x18] =	wrdreg s31  }
0x15: {  	[dreg:$0x9] =	wrdreg s0;
	s0 =	sadd.s32 s20, s4;
	s23 =	sshll.u32 s14, $0x9  }
0x16: {  	s13 =	simm.s32 @!p1 $0x61;
	[dreg:$0xa] =	wrdreg s0;
	s24 =	sadd.s32 s1, s23  }
0x17: {  	s26 =	sshrl.u32 s25, $0x3;
	s0 =	sadd.s32 s23, s17;
	[dreg:$0xb] =	wrdreg s24  }
0x18: {  	s28 =	sadd.s32 s15, s6;
	[dreg:$0xc] =	wrdreg s0;
	s0 =	sadd.s32 s15, s26  }
0x19: {  	s29 =	sshll.u32 s14, $0x8;
	[dreg:$0xd] =	wrdreg s0;
	s0 =	sadd.s32 $0x23280, s28  }
0x1a: {  	s30 =	sadd.s32 s7, s29;
	[dreg:$0x10] =	wrdreg s0;
	s0 =	sadd.s32 $0x17700, s2  }
0x1b: {  	s10 =	sadd.s32 $0x17700, s3;
	[dreg:$0xe] =	wrdreg s30;
	s0 =	sshrl.u32 @p0 s0, $0x3  }
0x1c: {  	s18 =	simm.s32 $0x5800;
	[dreg:$0x12] =	wrdreg s0;
	s0 =	sshrl.u32 @p0 s10, $0x3  }
0x1d: {  	s9 =	simm.s32 $0x1;
	[dreg:$0x13] =	wrdreg s0;
	s0 =	sshrl.u32 @!p0 s11, $0x3  }
0x1e: {  	s21 =	simm.s32 $0x0;
	[dreg:$0x14] =	wrdreg s0;
	s0 =	sshrl.u32 @!p0 s12, $0x3  }
0x1f: {  	s6 =	sadd.s32 s8, s29;
	[dreg:$0x15] =	wrdreg s0;
	s0 =	sadd.s32 $0x119400, s4  }
0x20: {  	[dreg:$0xf] =	wrdreg s6;
	s6 =	sadd.s32 s22, s4;
	s0 =	sshrl.u32 @p0 s0, $0x3  }
0x21: {  	s15 =	simm.s32 $0x1800;
	[dreg:$0x16] =	wrdreg s0;
	s0 =	sshrl.u32 @!p0 s6, $0x3  }
0x22: {  	v0 =	vimm.f32 $0.0e+00;
	v1 =	vimm.f32 $1.000000000e+00;
	v2 =	vimm.s32 $0x0;
	s6 =	simm.s32 $0x2;
	[dreg:$0x17] =	wrdreg s0;
	s0 =	simm.s32 $0x8800  }
.LBB2_1:
0x23: {  	s11 =	rddreg [dreg:$0x7]  }
0x24: {  	s10 =	simm.s32 @p0 $0x1FC2;
	s12 =	rddreg [dreg:$0x12]  }
0x25: {  	[spmem:s12], [sflag:s10] =	dma.local @p0 [hbm:s11], $0x230  }
0x26: {  	s11 =	simm.s32 @p0 $0x2  }
0x27: {  	_ =	swait.ge @p0 [sflag:s11], $0x230  }
0x28: {  	[sflag:s11] =	ssyncset.done @p0 $0x0;
	s12 =	rddreg [dreg:$0x8]  }
0x29: {  	s20 =	rddreg [dreg:$0x13];
	[sflag:s11] =	ssyncadd.s32 @p0 $0xFFFFFDD0  }
0x2a: {  	[spmem:s20], [sflag:s10] =	dma.local @p0 [hbm:s12], $0x230  }
0x2b: {  	s10 =	stileid.u32  }
0x2c: {  	_ =	swait.ge @p0 [sflag:s11], $0x230;
	s10 =	sshll.u32 @!p0 s10, $0x6  }
0x2d: {  	[sflag:s11] =	ssyncset.done @p0 $0x0;
	s20 =	sor.u32 @!p0 $0x1C02, s10;
	s10 =	rddreg [dreg:$0x6]  }
0x2e: {  	[sflag:s11] =	ssyncadd.s32 @p0 $0xFFFFFDD0;
	s11 =	rddreg [dreg:$0x14]  }
0x2f: {  	[spmem:s11], [sflag:s20] =	dma.local @!p0 [hbm:s10], $0x320  }
0x30: {  	s10 =	simm.s32 @!p0 $0x2  }
0x31: {  	_ =	swait.ge @!p0 [sflag:s10], $0x320  }
0x32: {  	[sflag:s10] =	ssyncset.done @!p0 $0x0;
	s11 =	rddreg [dreg:$0x15]  }
0x33: {  	s12 =	rddreg [dreg:$0x18];
	[sflag:s10] =	ssyncadd.s32 @!p0 $0xFFFFFCE0  }
0x34: {  	[spmem:s11], [sflag:s20] =	dma.local @!p0 [hbm:s12], $0x320  }
0x35: {  	_ =	swait.ge @!p0 [sflag:s10], $0x320  }
0x36: {  	[sflag:s10] =	ssyncset.done @!p0 $0x0  }
0x37: {  	s11 =	simm.s32 $0x0;
	[sflag:s10] =	ssyncadd.s32 @!p0 $0xFFFFFCE0;
	s10 =	simm.s32 $0x40  }
.LBB2_2:
0x38: {  	p1 =	sne.s32 s10, $0x1DC0;
	[tilespmem:s11+$0x8800] =	vst v0;
	s11 =	smov.u32 s10;
	s10 =	sadd.s32 $0x40, s10  }
.Ltmp0:
0x39: {  	(pc) =	sbr.rel @p1 .LBB2_2-.Ltmp0, $2  }
0x3a: {  	_ =	sdelay $0x2  }
0x3b: {  	s11 =	sshra.s32 s11, $0x2  }
0x3c: {  	s10 =	rddreg [dreg:$0xa]  }
0x3d: {  	[tilespmem:s11+$0x8800] =	vst v0;
	s11 =	rddreg [dreg:$0x9]  }
.LBB2_4:
0x3e: {  	p1 =	sne.s32 s11, $0x1  }
.Ltmp1:
0x3f: {  	_ = 	snop;
	(pc) =	sbr.rel @p1 .LBB2_4-.Ltmp1, $4  }
0x40: {  	[spmem:s10] =	stream.linear.scatter [tilespmem:s0], [sflag:$0x2], $0x780, $0x38;
	[tilespmem:$0x1E6F0] =	vst v63  }
0x41: {  	_ =	swait.ge [sflag:s6], $0x780  }
0x42: {  	[sflag:s6] =	ssyncset.done $0x0  }
0x43: {  	s10 =	sadd.s32 $0x780, s10;
	s11 =	sadd.s32 $0xFFFFFFFF, s11;
	[sflag:s6] =	ssyncadd.s32 $0xFFFFF880  }
0x44: {  	s11 =	simm.s32 $0x0  }
0x45: {  	s10 =	simm.s32 $0x10;
	s11 =	sand.u32 $0x7F0, s11  }
.LBB2_6:
0x46: {  	p1 =	sne.s32 s10, $0x7F0;
	[tilespmem:s11+$0x8000] =	vst v1;
	s11 =	smov.u32 s10;
	s10 =	sadd.s32 $0x10, s10  }
.Ltmp2:
0x47: {  	(pc) =	sbr.rel @p1 .LBB2_6-.Ltmp2, $2  }
0x48: {  	_ =	sdelay $0x2  }
0x49: {  	s11 =	sand.u32 $0x7F0, s11  }
0x4a: {  	[tilespmem:s11+$0x8000] =	vst v1  }
0x4b: {  	[bflag:$0x0] =	sbarrier.arrive $0xFFFF  }
0x4c: {  	s25 =	simm.s32 $0x80;
	s12 =	simm.s32 $0x100;
	s10 =	rddreg [dreg:$0xb]  }
0x4d: {  	[tilespmem:s21], [sflag:$0x1] =	stream.strided.gather [hbm4b:s10+s25], $0x800, s12, s25, $0x38;
	[tilespmem:$0x1E6F0] =	vst v63  }
0x4e: {  	s22 =	simm.s32 $0x1000;
	s26 =	rddreg [dreg:$0xc]  }
0x4f: {  	[tilespmem:s22], [sflag:$0x1] =	stream.strided.gather [hbm4b:s26+s25], $0x800, s12, s25, $0x38;
	[tilespmem:$0x1E6F0] =	vst v63  }
0x50: {  	s29 =	simm.s32 $0x2000;
	s31 =	simm.s32 $0x3000;
	s28 =	rddreg [dreg:$0xe]  }
0x51: {  	[tilespmem:s29], [sflag:$0x1] =	stream.linear.gather [hbm4b:s28+s21], $0x800, $0x38;
	[tilespmem:$0x1E6F0] =	vst v63  }
0x52: {  	s23 =	simm.s32 $0x0;
	s30 =	rddreg [dreg:$0xf];
	s22 =	simm.s32 $0x0  }
0x53: {  	[tilespmem:s31], [sflag:$0x1] =	stream.linear.gather [hbm4b:s30+s21], $0x800, $0x38;
	[tilespmem:$0x1E6F0] =	vst v63  }
.LBB2_8:
0x54: {  	_ =	swait.ge [sflag:s9], $0x800  }
0x55: {  	[sflag:s9] =	ssyncset.done $0x0  }
0x56: {  	[sflag:s9] =	ssyncadd.s32 $0xFFFFF800  }
0x57: {  	_ =	swait.ge [sflag:s9], $0x800  }
0x58: {  	s10 =	smov.u32 s23;
	s23 =	sadd.s32 $0x1, s23;
	[sflag:s9] =	ssyncset.done $0x0  }
0x59: {  	p1 =	sge.u32 s23, s13;
	[sflag:s9] =	ssyncadd.s32 $0xFFFFF800  }
0x5a: {  	s11 =	sadd.s32 @!p1 s14, s10;
	_ =	swait.ge [sflag:s9], $0x800  }
0x5b: {  	s10 =	sshll.u32 s10, $0xB;
	s11 =	sshll.u32 @!p1 s11, $0xB;
	[sflag:s9] =	ssyncset.done $0x0  }
0x5c: {  	s26 =	simm.s32 @!p1 $0x80;
	s11 =	sadd.s32 @!p1 $0x800, s11;
	[sflag:s9] =	ssyncadd.s32 $0xFFFFF800  }
0x5d: {  	s28 =	simm.s32 @!p1 $0x100;
	s12 =	sshrl.u32 @!p1 s11, $0x2;
	_ =	swait.ge [sflag:s9], $0x800  }
0x5e: {  	s10 =	sand.u32 $0x800, s10;
	s12 =	sand.u32 @!p1 $0x1FFFFE00, s12;
	[sflag:s9] =	ssyncset.done $0x0  }
0x5f: {  	s24 =	ssub.s32 @!p1 $0x800, s10;
	s25 =	sadd.s32 @!p1 s1, s12;
	[sflag:s9] =	ssyncadd.s32 $0xFFFFF800  }
0x60: {  	[tilespmem:s24], [sflag:$0x1] =	stream.strided.gather @!p1 [hbm4b:s25+s26], $0x800, s28, s26, $0x38;
	[tilespmem:$0x1E6F0] =	vst v63  }
0x61: {  	s11 =	sshrl.u32 @!p1 s11, $0x3;
	s12 =	sadd.s32 @!p1 s12, s17;
	s24 =	ssub.s32 @!p1 $0x1800, s10  }
0x62: {  	[tilespmem:s24], [sflag:$0x1] =	stream.strided.gather @!p1 [hbm4b:s12+s26], $0x800, s28, s26, $0x38;
	[tilespmem:$0x1E6F0] =	vst v63  }
0x63: {  	s25 =	simm.s32 @!p1 $0x0;
	s12 =	ssub.s32 @!p1 $0x2800, s10;
	s24 =	sadd.s32 @!p1 s7, s11  }
0x64: {  	[tilespmem:s12], [sflag:$0x1] =	stream.linear.gather @!p1 [hbm4b:s24+s25], $0x800, $0x38;
	[tilespmem:$0x1E6F0] =	vst v63  }
0x65: {  	s11 =	sadd.s32 @!p1 s8, s11;
	s12 =	ssub.s32 @!p1 $0x3800, s10  }
0x66: {  	[tilespmem:s12], [sflag:$0x1] =	stream.linear.gather @!p1 [hbm4b:s11+s25], $0x800, $0x38;
	[tilespmem:$0x1E6F0] =	vst v63  }
0x67: {  	s11 =	simm.s32 $0x4000  }
0x68: {  	[tilespmem:s11], [sflag:$0x2] =	stream.indirect.gather [spmem:s3], $0x1, s10, s16, $0xb8;
	[tilespmem:$0x1E6F0] =	vst v63  }
0x69: {  	_ =	swait.ge [sflag:s6], $0x800  }
0x6a: {  	[sflag:s6] =	ssyncset.done $0x0  }
0x6b: {  	s12 =	simm.s32 $0x4800;
	[sflag:s6] =	ssyncadd.s32 $0xFFFFF800  }
0x6c: {  	[tilespmem:s12], [sflag:$0x2] =	stream.indirect.gather [spmem:s2], $0x1, s10, s16, $0xb8;
	[tilespmem:$0x1E6F0] =	vst v63  }
0x6d: {  	_ =	swait.ge [sflag:s6], $0x800  }
0x6e: {  	[sflag:s6] =	ssyncset.done $0x0  }
0x6f: {  	s24 =	simm.s32 $0x5000;
	s10 =	sor.u32 $0x1000, s10;
	[sflag:s6] =	ssyncadd.s32 $0xFFFFF800  }
0x70: {  	[tilespmem:s24], [sflag:$0x2] =	stream.indirect.gather [spmem:s2], $0x1, s10, s16, $0xb8;
	[tilespmem:$0x1E6F0] =	vst v63  }
0x71: {  	s26 =	sadd.s32 $0x0, s22;
	_ =	swait.ge [sflag:s6], $0x800  }
0x72: {  	s31 =	sand.u32 $0x70, s21;
	s10 =	sand.u32 $0xF80, s26;
	[sflag:s6] =	ssyncset.done $0x0  }
0x73: {  	s10 =	sor.u32 s31, s10;
	[sflag:s6] =	ssyncadd.s32 $0xFFFFF800  }
0x74: {  	v3 =	vld [tilespmem:s10+$0x2000];
	_ =	sdelay $0x3  }
0x75: {  	v4 =	vld [tilespmem:s10+$0x1000]  }
0x76: {  	(erf) = vrcp.f32 v3;
	_ =	sdelay $0x1  }
0x77: {  	v5 =	vld [tilespmem:s12+$0x0];
	vm0 =	vlt.f32 v3, $0.0e+00  }
0x78: {  	v6 =	vld [tilespmem:s24+$0x0];
	vm1 =	vgt.f32 v3, $0.0e+00;
	v3 =	vsel vm0, $0x18880, v2  }
0x79: {  	vm0 =	vmor vm1, vm0;
	v3 =	vadd.s32 v4, v3  }
0x7a: {  	s26 =	simm.s32 $0x6000;
	v7 =	vld [tilespmem:s11+$0x0];
	v3 =	vnsel vm0, $0x18780, v3  }
0x7b: {  	s28 =	sadd.s32 $0x10, s22;
	[tilespmem:s26+$0xFFFFF800] =	vst v3;
	v4 =	vadd.s32 $0x31100, v3;
	v3 =	vadd.s32 $0x62200, v3  }
0x7c: {  	s29 =	sand.u32 $0xF80, s28  }
0x7d: {  	s28 =	simm.s32 $0x6010;
	s25 =	simm.s32 $0x10;
	s31 =	sand.u32 $0x7F0, s21;
	[tilespmem:s26+$0x0] =	vst v4;
	v4 =	vsub.f32 v6, v5  }
0x7e: {  	s30 =	sand.u32 $0x70, s25;
	s24 =	simm.s32 $0x7800;
	s11 =	simm.s32 $0x20;
	[tilespmem:s31+$0x6800] =	vst v3;
	v3 =	vpop (erf)  }
0x7f: {  	s10 =	simm.s32 $0x4810;
	s12 =	simm.s32 $0x5010;
	s26 =	simm.s32 $0x4010;
	[tilespmem:s24+$0xFFFFF800] =	vst v7;
	v3 =	vmul.f32 v3, v4  }
.LBB2_9:
0x80: {  	s29 =	sor.u32 s30, s29  }
0x81: {  	[tilespmem:s24+$0x0] =	vst v3;
	s24 =	sadd.s32 $0x10, s24;
	s30 =	smov.u32 s11;
	s31 =	sadd.s32 $0x10, s11  }
0x82: {  	p1 =	sne.s32 s11, $0x7F0;
	v3 =	vld [tilespmem:s29+$0x2000];
	_ =	sdelay $0x1  }
0x83: {  	v4 =	vld [tilespmem:s29+$0x1000];
	_ =	sdelay $0x2  }
0x84: {  	vm0 =	vlt.f32 v3, $0.0e+00;
	(erf) = vrcp.f32 v3  }
0x85: {  	vm1 =	vgt.f32 v3, $0.0e+00;
	v5 =	vld [tilespmem:s10+$0x0];
	v3 =	vsel vm0, $0x18880, v2  }
0x86: {  	vm0 =	vmor vm1, vm0;
	v6 =	vld [tilespmem:s26+$0x0];
	v3 =	vadd.s32 v4, v3  }
0x87: {  	v4 =	vld [tilespmem:s12+$0x0];
	v3 =	vnsel vm0, $0x18780, v3  }
0x88: {  	[tilespmem:s28+$0xFFFFF800] =	vst v3;
	v7 =	vadd.s32 $0x31100, v3  }
0x89: {  	s11 =	sand.u32 $0x7F0, s25;
	s25 =	smov.u32 s30;
	v3 =	vadd.s32 $0x62200, v3;
	[tilespmem:s28+$0x0] =	vst v7  }
0x8a: {  	[tilespmem:s11+$0x6800] =	vst v3  }
.Ltmp3:
0x8b: {  	[tilespmem:s24+$0xFFFFF800] =	vst v6;
	(pc) =	sbr.rel @p1 .LBB2_9-.Ltmp3, $4  }
0x8c: {  	v3 =	vsub.f32 v4, v5  }
0x8d: {  	s30 =	sand.u32 $0x70, s25;
	s10 =	sadd.s32 $0x10, s10;
	v4 =	vpop (erf)  }
0x8e: {  	s26 =	sadd.s32 $0x10, s26;
	s12 =	sadd.s32 $0x10, s12;
	s11 =	sadd.s32 s25, s22;
	v3 =	vmul.f32 v4, v3  }
0x8f: {  	s28 =	sadd.s32 $0x10, s28;
	s29 =	sand.u32 $0xF80, s11;
	s11 =	smov.u32 s31  }
0x90: {  	s11 =	sor.u32 s30, s29;
	[tilespmem:s24+$0x0] =	vst v3  }
0x91: {  	v3 =	vld [tilespmem:s11+$0x2000];
	_ =	sdelay $0x3  }
0x92: {  	v4 =	vld [tilespmem:s11+$0x1000]  }
0x93: {  	(erf) = vrcp.f32 v3;
	_ =	sdelay $0x1  }
0x94: {  	v5 =	vld [tilespmem:s10+$0x0];
	vm0 =	vlt.f32 v3, $0.0e+00  }
0x95: {  	v6 =	vld [tilespmem:s12+$0x0];
	vm1 =	vgt.f32 v3, $0.0e+00;
	v3 =	vsel vm0, $0x18880, v2  }
0x96: {  	vm0 =	vmor vm1, vm0;
	v3 =	vadd.s32 v4, v3  }
0x97: {  	v3 =	vnsel vm0, $0x18780, v3  }
0x98: {  	v7 =	vld [tilespmem:s26+$0x0];
	v4 =	vadd.s32 $0x31100, v3;
	_ =	sdelay $0x1  }
0x99: {  	v5 =	vsub.f32 v6, v5;
	[tilespmem:s28+$0xFFFFF800] =	vst v3  }
0x9a: {  	s12 =	sand.u32 $0x7F0, s25;
	v3 =	vadd.s32 $0x62200, v3;
	[tilespmem:s28+$0x0] =	vst v4;
	v4 =	vpop (erf)  }
0x9b: {  	s25 =	sadd.s32 $0x10, s24;
	[tilespmem:s12+$0x6800] =	vst v3;
	v3 =	vmul.f32 v4, v5  }
0x9c: {  	[tilespmem:s25+$0xFFFFF800] =	vst v7  }
0x9d: {  	[tilespmem:s25+$0x0] =	vst v3  }
0x9e: {  	[spmem:s4] =	stream.indirect.scatter.add.f32 [tilespmem:s19], [sflag:$0x2], $0x1, s18, s15, $0xb8;
	[tilespmem:$0x1E6F0] =	vst v63  }
0x9f: {  	s10 =	simm.s32 $0x0;
	s26 =	sadd.s32 $0x0, s22;
	_ =	swait.ge [sflag:s6], $0x1800  }
0xa0: {  	s11 =	sand.u32 $0xF80, s26;
	s31 =	sand.u32 $0x70, s10;
	[sflag:s6] =	ssyncset.done $0x0  }
0xa1: {  	s11 =	sor.u32 s31, s11;
	[sflag:s6] =	ssyncadd.s32 $0xFFFFE800  }
0xa2: {  	v3 =	vld [tilespmem:s11+$0x3000];
	_ =	sdelay $0x3  }
0xa3: {  	v4 =	vld [tilespmem:s11+$0x1000]  }
0xa4: {  	(erf) = vrcp.f32 v3  }
0xa5: {  	s12 =	simm.s32 $0x4800  }
0xa6: {  	s24 =	simm.s32 $0x5000;
	v5 =	vld [tilespmem:s12+$0x0];
	vm14 =	vlt.f32 v3, $0.0e+00  }
0xa7: {  	v62 =	vld [tilespmem:s24+$0x0];
	vm15 =	vgt.f32 v3, $0.0e+00;
	v3 =	vsel vm14, $0x18880, v2  }
0xa8: {  	s25 =	simm.s32 $0x4000;
	vm0 =	vmor vm15, vm14;
	v3 =	vadd.s32 v4, v3  }
0xa9: {  	v4 =	vld [tilespmem:s25+$0x0];
	v3 =	vnsel vm0, $0x18780, v3  }
0xaa: {  	s26 =	simm.s32 $0x6000;
	v63 =	vadd.s32 $0x93300, v3;
	v8 =	vadd.s32 $0xC4400, v3;
	v3 =	vadd.s32 $0xF5500, v3  }
0xab: {  	s31 =	sand.u32 $0x7F0, s10;
	s28 =	sadd.s32 $0x10, s22;
	[tilespmem:s26+$0xFFFFF800] =	vst v63  }
0xac: {  	s10 =	simm.s32 $0x4810;
	s29 =	sand.u32 $0xF80, s28;
	s28 =	simm.s32 $0x6010;
	v5 =	vsub.f32 v62, v5;
	[tilespmem:s26+$0x0] =	vst v8  }
0xad: {  	s24 =	simm.s32 $0x7800;
	s11 =	simm.s32 $0x20;
	s25 =	simm.s32 $0x10;
	[tilespmem:s31+$0x6800] =	vst v3;
	v3 =	vpop (erf)  }
0xae: {  	s12 =	simm.s32 $0x5010;
	s30 =	sand.u32 $0x70, s25;
	s26 =	simm.s32 $0x4010;
	[tilespmem:s24+$0xFFFFF800] =	vst v4;
	v3 =	vmul.f32 v3, v5  }
.LBB2_11:
0xaf: {  	s29 =	sor.u32 s30, s29  }
0xb0: {  	[tilespmem:s24+$0x0] =	vst v3;
	s24 =	sadd.s32 $0x10, s24;
	s30 =	smov.u32 s11;
	s31 =	sadd.s32 $0x10, s11  }
0xb1: {  	p1 =	sne.s32 s11, $0x7F0;
	v3 =	vld [tilespmem:s29+$0x3000];
	_ =	sdelay $0x1  }
0xb2: {  	v4 =	vld [tilespmem:s29+$0x1000];
	_ =	sdelay $0x2  }
0xb3: {  	vm0 =	vlt.f32 v3, $0.0e+00;
	vm1 =	vgt.f32 v3, $0.0e+00;
	(erf) = vrcp.f32 v3  }
0xb4: {  	v3 =	vld [tilespmem:s10+$0x0];
	vm1 =	vmor vm1, vm0;
	v5 =	vsel vm0, $0x18880, v2  }
0xb5: {  	v6 =	vld [tilespmem:s12+$0x0];
	v4 =	vadd.s32 v4, v5  }
0xb6: {  	v5 =	vld [tilespmem:s26+$0x0];
	v4 =	vnsel vm1, $0x18780, v4  }
0xb7: {  	v7 =	vadd.s32 $0x93300, v4;
	v8 =	vadd.s32 $0xC4400, v4  }
0xb8: {  	[tilespmem:s28+$0xFFFFF800] =	vst v7  }
0xb9: {  	s11 =	sand.u32 $0x7F0, s25;
	s25 =	smov.u32 s30;
	v4 =	vadd.s32 $0xF5500, v4;
	[tilespmem:s28+$0x0] =	vst v8  }
.Ltmp4:
0xba: {  	v3 =	vsub.f32 v6, v3;
	[tilespmem:s11+$0x6800] =	vst v4;
	(pc) =	sbr.rel @p1 .LBB2_11-.Ltmp4, $4  }
0xbb: {  	[tilespmem:s24+$0xFFFFF800] =	vst v5  }
0xbc: {  	s30 =	sand.u32 $0x70, s25;
	s10 =	sadd.s32 $0x10, s10;
	v4 =	vpop (erf)  }
0xbd: {  	s12 =	sadd.s32 $0x10, s12;
	s26 =	sadd.s32 $0x10, s26;
	s11 =	sadd.s32 s25, s22;
	v3 =	vmul.f32 v4, v3  }
0xbe: {  	s28 =	sadd.s32 $0x10, s28;
	s29 =	sand.u32 $0xF80, s11;
	s11 =	smov.u32 s31  }
0xbf: {  	s11 =	sor.u32 s30, s29;
	[tilespmem:s24+$0x0] =	vst v3  }
0xc0: {  	v3 =	vld [tilespmem:s11+$0x3000];
	_ =	sdelay $0x4  }
0xc1: {  	v4 =	vld [tilespmem:s11+$0x1000];
	(erf) = vrcp.f32 v3;
	_ =	sdelay $0x1  }
0xc2: {  	v5 =	vld [tilespmem:s10+$0x0]  }
0xc3: {  	v6 =	vld [tilespmem:s12+$0x0];
	vm0 =	vlt.f32 v3, $0.0e+00  }
0xc4: {  	vm1 =	vgt.f32 v3, $0.0e+00;
	v3 =	vsel vm0, $0x18880, v2  }
0xc5: {  	vm0 =	vmor vm1, vm0;
	v3 =	vadd.s32 v4, v3  }
0xc6: {  	v62 =	vld [tilespmem:s26+$0x0];
	v3 =	vnsel vm0, $0x18780, v3  }
0xc7: {  	v7 =	vadd.s32 $0x93300, v3  }
0xc8: {  	v5 =	vsub.f32 v6, v5;
	v8 =	vadd.s32 $0xC4400, v3;
	[tilespmem:s28+$0xFFFFF800] =	vst v7  }
0xc9: {  	s30 =	sand.u32 $0x7F0, s25;
	v3 =	vadd.s32 $0xF5500, v3;
	[tilespmem:s28+$0x0] =	vst v8;
	v63 =	vpop (erf)  }
0xca: {  	s31 =	sadd.s32 $0x10, s24;
	[tilespmem:s30+$0x6800] =	vst v3;
	v3 =	vmul.f32 v63, v5  }
0xcb: {  	p1 =	sne.s32 s23, s13;
	[tilespmem:s31+$0xFFFFF800] =	vst v62  }
.Ltmp5:
0xcc: {  	[tilespmem:s31+$0x0] =	vst v3;
	(pc) =	sbr.rel @p1 .LBB2_8-.Ltmp5, $4  }
0xcd: {  	[spmem:s4] =	stream.indirect.scatter.add.f32 [tilespmem:s19], [sflag:$0x2], $0x1, s18, s15, $0xb8;
	[tilespmem:$0x1E6F0] =	vst v63  }
0xce: {  	_ =	swait.ge [sflag:s6], $0x1800  }
0xcf: {  	[sflag:s6] =	ssyncset.done $0x0  }
0xd0: {  	s22 =	sadd.s32 $0x800, s22;
	[sflag:s6] =	ssyncadd.s32 $0xFFFFE800  }
0xd1: {  	[bflag:$0x0] =	sbarrier.arrive $0xFFFF  }
0xd2: {  	s11 =	rddreg [dreg:$0x10]  }
0xd3: {  	s10 =	simm.s32 @p0 $0x1FC2;
	s12 =	rddreg [dreg:$0x16]  }
0xd4: {  	[hbm:s11], [sflag:s10] =	dma.local @p0 [spmem:s12], $0x1A40  }
0xd5: {  	s10 =	simm.s32 @p0 $0x2  }
0xd6: {  	_ =	swait.ge @p0 [sflag:s10], $0x1A40  }
0xd7: {  	[sflag:s10] =	ssyncset.done @p0 $0x0;
	s11 =	rddreg [dreg:$0x17]  }
0xd8: {  	[sflag:s10] =	ssyncadd.s32 @p0 $0xFFFFE5C0;
	s10 =	rddreg [dreg:$0xd]  }
0xd9: {  	[hbm:s10], [sflag:s20] =	dma.local @!p0 [spmem:s11], $0x2580  }
0xda: {  	s10 =	simm.s32 @!p0 $0x2  }
0xdb: {  	_ =	swait.ge @!p0 [sflag:s10], $0x2580  }
0xdc: {  	s5 =	sadd.s32 $0x1, s5;
	s31 =	rddreg [dreg:$0x11]  }
0xdd: {  	p1 =	sne.s32 s5, s31  }
.Ltmp6:
0xde: {  	_ = 	snop;
	(pc) =	sbr.rel @p1 .LBB2_1-.Ltmp6, $3  }
0xdf: {  	_ =	sdelay $0x1  }
0xe0: {  	[sflag:s10] =	ssyncset.done @!p0 $0x0  }
0xe1: {  	[sflag:s10] =	ssyncadd.s32 @!p0 $0xFFFFDA80  }
0xe2: {  	_ =	sfence.sel $0x180000  }
0xe3: {  	[bflag:$0x0] =	sbarrier.arrive $0xFFFF  }
0xe4: {  	_ =	strace $0x90000047  }
0xe5: {  	s0 =	stileid.u32;
	[bflag:$0x2] =	sbarrier.arrive $0xFFFF  }
0xe6: {  	p0 =	sne.s32 s0, $0x0;
	s0 =	rddreg [dreg:$0x5]  }
0xe7: {  	s0 =	sadd.s32 @!p0 $0x100000, s0  }
0xe8: {  	[sflag:s0] =	ssyncadd.tile.s32 @!p0 $0x1;
	_ =	shalt  }
.Lfunc_end2:
_tile_overlayer_lowered:
.L_overlay_start_2:
0xe9: {  	(tag) =	ssettag $0x2  }
0xea: {  	s0 =	rddreg [dreg:$0x0];
	s2 =	stileid.u32  }
0xeb: {  	s1 =	rddreg [dreg:$0x1];
	p0 =	sne.s32 s2, $0x0  }
0xec: {  	s3 =	rddreg [dreg:$0x2];
	[bflag:$0x3] =	sbarrier.arrive $0xFFFF;
	s2 =	simm.s32 @!p0 $0x1C02  }
0xed: {  	[timem:s3], [sflag:s2] =	dma.local @!p0 [hbm:s0], s1  }
0xee: {  	s0 =	simm.s32 @!p0 $0x2  }
0xef: {  	_ =	swait.ge @!p0 [sflag:s0], s1  }
0xf0: {  	s1 =	ssub.s32 @!p0 $0x0, s1;
	[sflag:s0] =	ssyncset.done @!p0 $0x0  }
0xf1: {  	[sflag:s0] =	ssyncadd.s32 @!p0 s1  }
0xf2: {  	[bflag:$0x3] =	sbarrier.arrive $0xFFFF  }
0xf3: {  	_ =	shalt  }

</sc_bundles>
